<compile_context>
chip_gen: v7x
topology: tpu7x:2x2x1
jax: 0.10.2.dev20260603
libtpu: 0.0.44.dev20260713+nightly
codegen_flags: <defaults>
</compile_context>

<pallas_src>
import functools

import jax
import jax.numpy as jnp
from jax import lax
from jax.experimental import pallas as pl
from jax.experimental.pallas import tpu as pltpu
from jax.experimental.pallas import tpu_sc as plsc

N = 10000
E = 320000
D = 128
NPAD = 10240
NW = 32
CHUNK = 128
NCH = 80
HALF = NCH // 2
EPW = NCH * CHUNK
EPAD = NW * EPW
ROWS_PER_TILE = NPAD // 16
PAD_ROW = N

_mesh = plsc.VectorSubcoreMesh(core_axis_name="c", subcore_axis_name="s")


@functools.partial(
    pl.kernel,
    out_type=jax.ShapeDtypeStruct((2, NPAD, D), jnp.float32),
    mesh=_mesh,
    scratch_types=[
        pltpu.VMEM((HALF, CHUNK), jnp.int32),
        pltpu.VMEM((HALF, CHUNK), jnp.int32),
        pltpu.VMEM((CHUNK, D), jnp.float32),
        pltpu.VMEM((CHUNK, D), jnp.float32),
        pltpu.VMEM_SHARED((NPAD, D), jnp.float32),
        pltpu.SemaphoreType.DMA,
        pltpu.SemaphoreType.DMA,
    ],
)
def _sc_aggregate(xp_hbm, srcw_hbm, dstw_hbm, out_hbm, sidx, didx, rows0, rows1,
                  acc, sem0, sem1):
    c = lax.axis_index("c")
    s = lax.axis_index("s")
    w = s * 2 + c

    def zrow(i, _):
        for j in range(D // 16):
            rows0[i, pl.ds(j * 16, 16)] = jnp.zeros((16,), jnp.float32)
        return 0

    lax.fori_loop(0, CHUNK, zrow, 0)
    for k in range(ROWS_PER_TILE // CHUNK):
        pltpu.async_copy(
            rows0, acc.at[pl.ds(s * ROWS_PER_TILE + k * CHUNK, CHUNK)], sem0
        )
    for k in range(ROWS_PER_TILE // CHUNK):
        pltpu.make_async_copy(
            rows0, acc.at[pl.ds(s * ROWS_PER_TILE + k * CHUNK, CHUNK)], sem0
        ).wait()
    plsc.subcore_barrier()

    for h in range(2):
        pltpu.sync_copy(srcw_hbm.at[w, pl.ds(h * HALF, HALF)], sidx)
        pltpu.sync_copy(dstw_hbm.at[w, pl.ds(h * HALF, HALF)], didx)
        pltpu.async_copy(xp_hbm.at[sidx.at[0]], rows0, sem0)

        def body(g, _):
            j0 = 2 * g
            pltpu.async_copy(xp_hbm.at[sidx.at[j0 + 1]], rows1, sem1)
            pltpu.make_async_copy(xp_hbm.at[sidx.at[j0]], rows0, sem0).wait()
            pltpu.sync_copy(rows0, acc.at[didx.at[j0]], add=True)

            @pl.when(j0 + 2 < HALF)
            def _():
                pltpu.async_copy(xp_hbm.at[sidx.at[j0 + 2]], rows0, sem0)

            pltpu.make_async_copy(xp_hbm.at[sidx.at[j0 + 1]], rows1, sem1).wait()
            pltpu.sync_copy(rows1, acc.at[didx.at[j0 + 1]], add=True)
            return 0

        lax.fori_loop(0, HALF // 2, body, 0)
    plsc.subcore_barrier()

    pltpu.sync_copy(
        acc.at[pl.ds(s * ROWS_PER_TILE, ROWS_PER_TILE)],
        out_hbm.at[c, pl.ds(s * ROWS_PER_TILE, ROWS_PER_TILE)],
    )


def _mm_body(x_ref, w_ref, b_ref, o_ref):
    o_ref[...] = (
        lax.dot_general(
            x_ref[...], w_ref[...], (((1,), (1,)), ((), ())),
            preferred_element_type=jnp.float32,
        )
        + b_ref[...]
    )


def _mid_body(xp_ref, p0_ref, p1_ref, c_ref, w_ref, b_ref, o_ref):
    t = (xp_ref[...] + p0_ref[0] + p1_ref[0]) * (-jnp.abs(c_ref[0]))
    h = jnp.maximum(t, 0.0)
    o_ref[...] = (
        lax.dot_general(
            h, w_ref[...], (((1,), (1,)), ((), ())),
            preferred_element_type=jnp.float32,
        )
        + b_ref[...]
    )


def _final_body(xp_ref, q0_ref, q1_ref, c_ref, o_ref):
    o = (xp_ref[...] + q0_ref[0] + q1_ref[0]) * (-jnp.abs(c_ref[0]))
    m = jnp.max(o, axis=1, keepdims=True)
    lse = jnp.log(jnp.sum(jnp.exp(o - m), axis=1, keepdims=True)) + m
    o_ref[...] = o - lse


_BLK = 2560


def _mm(x, W, b):
    return pl.pallas_call(
        _mm_body,
        grid=(NPAD // _BLK,),
        in_specs=[
            pl.BlockSpec((_BLK, D), lambda i: (i, 0)),
            pl.BlockSpec((D, D), lambda i: (0, 0)),
            pl.BlockSpec((1, D), lambda i: (0, 0)),
        ],
        out_specs=pl.BlockSpec((_BLK, D), lambda i: (i, 0)),
        out_shape=jax.ShapeDtypeStruct((NPAD, D), jnp.float32),
    )(x, W, b.reshape(1, D))


def _mid(xp, p, c, W, b):
    return pl.pallas_call(
        _mid_body,
        grid=(NPAD // _BLK,),
        in_specs=[
            pl.BlockSpec((_BLK, D), lambda i: (i, 0)),
            pl.BlockSpec((1, _BLK, D), lambda i: (0, i, 0)),
            pl.BlockSpec((1, _BLK, D), lambda i: (1, i, 0)),
            pl.BlockSpec(memory_space=pltpu.SMEM),
            pl.BlockSpec((D, D), lambda i: (0, 0)),
            pl.BlockSpec((1, D), lambda i: (0, 0)),
        ],
        out_specs=pl.BlockSpec((_BLK, D), lambda i: (i, 0)),
        out_shape=jax.ShapeDtypeStruct((NPAD, D), jnp.float32),
    )(xp, p, p, c, W, b.reshape(1, D))


_FBLK = 2000


def _final(xp, q, c):
    return pl.pallas_call(
        _final_body,
        grid=(N // _FBLK,),
        in_specs=[
            pl.BlockSpec((_FBLK, D), lambda i: (i, 0)),
            pl.BlockSpec((1, _FBLK, D), lambda i: (0, i, 0)),
            pl.BlockSpec((1, _FBLK, D), lambda i: (1, i, 0)),
            pl.BlockSpec(memory_space=pltpu.SMEM),
        ],
        out_specs=pl.BlockSpec((_FBLK, D), lambda i: (i, 0)),
        out_shape=jax.ShapeDtypeStruct((N, D), jnp.float32),
    )(xp, q, q, c)


def kernel(x, edge_index, W1, b1, Wa1, ba1, c1, W2, b2, Wa2, ba2, c2):
    del Wa1, ba1, Wa2, ba2
    src = edge_index[0].astype(jnp.int32)
    dst = edge_index[1].astype(jnp.int32)
    pad = PAD_ROW + (jnp.arange(EPAD - E, dtype=jnp.int32) % (NPAD - N))
    srcw = jnp.concatenate([src, pad]).reshape(NW, NCH, CHUNK)
    dstw = jnp.concatenate([dst, pad]).reshape(NW, NCH, CHUNK)

    xp1 = _mm(x, W1, b1)
    p = _sc_aggregate(xp1, srcw, dstw)
    xp2 = _mid(xp1, p, c1, W2, b2)
    q = _sc_aggregate(xp2, srcw, dstw)
    return _final(xp2, q, c2)

# --- scband reference (transcript-rebuilt; emitter-appended) ---
"""Pipeline reference for scband-hgcn-6133213299293 (READ-ONLY COPY).

The authoritative reference and input builder live on the scoring server;
editing this copy changes nothing except your own understanding.
"""

import jax, jax.numpy as jnp
import numpy as np

N = 10000
E = 320000
D_IN = 128
D_HID = 128
D_OUT = 128


def setup_inputs(seed: int = 0) -> dict:
    key = jax.random.key(seed)
    ks = jax.random.split(key, 12)
    inp = {}
    inp["x"] = jax.random.normal(ks[0], (N, D_IN), dtype=jnp.float32)
    inp["edge_index"] = jax.random.randint(ks[1], (2, E), 0, N)
    s1 = 1.0 / np.sqrt(D_IN)
    inp["W1"] = jax.random.uniform(ks[2], (D_HID, D_IN), minval=-s1, maxval=s1, dtype=jnp.float32)
    inp["b1"] = jax.random.uniform(ks[3], (D_HID,), minval=-s1, maxval=s1, dtype=jnp.float32)
    sa1 = 1.0 / np.sqrt(2 * D_HID)
    inp["Wa1"] = jax.random.uniform(ks[4], (1, 2 * D_HID), minval=-sa1, maxval=sa1, dtype=jnp.float32)
    inp["ba1"] = jax.random.uniform(ks[5], (1,), minval=-sa1, maxval=sa1, dtype=jnp.float32)
    inp["c1"] = jnp.array([-1.0], dtype=jnp.float32)
    s2 = 1.0 / np.sqrt(D_HID)
    inp["W2"] = jax.random.uniform(ks[6], (D_OUT, D_HID), minval=-s2, maxval=s2, dtype=jnp.float32)
    inp["b2"] = jax.random.uniform(ks[7], (D_OUT,), minval=-s2, maxval=s2, dtype=jnp.float32)
    sa2 = 1.0 / np.sqrt(2 * D_OUT)
    inp["Wa2"] = jax.random.uniform(ks[8], (1, 2 * D_OUT), minval=-sa2, maxval=sa2, dtype=jnp.float32)
    inp["ba2"] = jax.random.uniform(ks[9], (1,), minval=-sa2, maxval=sa2, dtype=jnp.float32)
    inp["c2"] = jnp.array([-1.0], dtype=jnp.float32)
    return inp


def _hgcn_layer(x, edge_index, W, b, Wa, ba, curv):
    n = x.shape[0]
    # add_self_loops
    loops = jnp.arange(n, dtype=edge_index.dtype)
    ei = jnp.concatenate([edge_index, jnp.stack([loops, loops], axis=0)], axis=1)
    # linear transform
    x = x @ W.T + b
    src = ei[0]  # j (source / message sender)
    dst = ei[1]  # i (target / aggregation node)
    x_j = jnp.take(x, src, axis=0)
    x_i = jnp.take(x, dst, axis=0)
    x_concat = jnp.concatenate([x_i, x_j], axis=1)
    alpha = x_concat @ Wa.T + ba
    alpha = jax.nn.leaky_relu(alpha, negative_slope=0.01)
    # softmax over dim=1 of shape [E, 1] -> ones (faithful to original)
    alpha = jax.nn.softmax(alpha, axis=1)
    curvature = -jnp.abs(curv)
    msg = alpha * x_j * curvature
    out = jnp.zeros_like(x).at[dst].add(msg)
    return out


def reference(x, edge_index, W1, b1, Wa1, ba1, c1, W2, b2, Wa2, ba2, c2):
    h = jax.nn.relu(_hgcn_layer(x, edge_index, W1, b1, Wa1, ba1, c1))
    o = _hgcn_layer(h, edge_index, W2, b2, Wa2, ba2, c2)
    return jax.nn.log_softmax(o, axis=1)

if __name__ == "__main__":
    import jax
    _d = setup_inputs()
    print(jax.jit(kernel)(*tuple(_d.values())))

</pallas_src>

<mosaic_0001>
#map = affine_map<(d0, d1) -> (0, 0)>
#map1 = affine_map<(d0, d1) -> (0, 0, 0)>
module attributes {stable_mosaic.version = 14 : i64} {
  func.func @_sc_aggregate(%arg0: i32, %arg1: i32, %arg2: memref<10240x128xf32, #tpu.memory_space<hbm>>, %arg3: memref<32x80x128xi32, #tpu.memory_space<hbm>>, %arg4: memref<32x80x128xi32, #tpu.memory_space<hbm>>, %arg5: memref<2x10240x128xf32, #tpu.memory_space<hbm>>, %arg6: memref<40x128xi32, #tpu.memory_space<vmem>>, %arg7: memref<40x128xi32, #tpu.memory_space<vmem>>, %arg8: memref<128x128xf32, #tpu.memory_space<vmem>>, %arg9: memref<128x128xf32, #tpu.memory_space<vmem>>, %arg10: memref<10240x128xf32, #tpu.memory_space<vmem_shared>>, %arg11: memref<!tpu.dma_semaphore, #tpu.memory_space<semaphore_mem>>, %arg12: memref<!tpu.dma_semaphore, #tpu.memory_space<semaphore_mem>>) attributes {dimension_semantics = [#tpu.dimension_semantics<core_parallel>, #tpu.dimension_semantics<subcore_parallel>], iteration_bounds = array<i64: 2, 16>, scalar_prefetch = 0 : i64, scratch_operands = 7 : i64, tpu.core_type = #tpu.core_type<sc_vector_subcore>, window_params = [{transform_indices = #map}, {transform_indices = #map1}, {transform_indices = #map1}, {transform_indices = #map1}]} {
    %mul3A = arith.constant 2 : i32
    %mul3A_0 = arith.muli %arg1, %mul3A : i32
    %add3A = arith.addi %mul3A_0, %arg0 : i32
    %scan3A = arith.constant 0 : i32
    %scan3A_1 = arith.constant 0 : i32
    %scan3A_2 = arith.constant 128 : i32
    %scan3A_3 = arith.addi %scan3A_1, %scan3A_2 : i32
    %scan3A_4 = arith.constant 1 : i32
    %scan3A_5 = scf.for %scan3A_118 = %scan3A_1 to %scan3A_3 step %scan3A_4 iter_args(%scan3A_119 = %scan3A) -> (i32)  : i32 {
      %broadcast_in_dim3A = arith.constant 0.000000e+00 : f32
      %broadcast_in_dim3A_120 = vector.broadcast %broadcast_in_dim3A : f32 to vector<16xf32>
      %swap3A = arith.index_cast %scan3A_118 : i32 to index
      %swap3A_121 = arith.constant 0 : index
      %swap3A_122 = tpu.vector_load %arg8[%swap3A, %swap3A_121] {strides = array<i32>} : memref<128x128xf32, #tpu.memory_space<vmem>>, vector<1x16xf32>,
      %swap3A_123 = vector.shape_cast %swap3A_122 : vector<1x16xf32> to vector<16xf32>
      %swap3A_124 = vector.shape_cast %broadcast_in_dim3A_120 : vector<16xf32> to vector<1x16xf32>
      tpu.vector_store %arg8[%swap3A, %swap3A_121], %swap3A_124 {strides = array<i32>} : memref<128x128xf32, #tpu.memory_space<vmem>>, vector<1x16xf32>,
      %broadcast_in_dim3A_125 = arith.constant 0.000000e+00 : f32
      %broadcast_in_dim3A_126 = vector.broadcast %broadcast_in_dim3A_125 : f32 to vector<16xf32>
      %swap3A_127 = arith.index_cast %scan3A_118 : i32 to index
      %swap3A_128 = arith.constant 16 : index
      %swap3A_129 = tpu.vector_load %arg8[%swap3A_127, %swap3A_128] {strides = array<i32>} : memref<128x128xf32, #tpu.memory_space<vmem>>, vector<1x16xf32>,
      %swap3A_130 = vector.shape_cast %swap3A_129 : vector<1x16xf32> to vector<16xf32>
      %swap3A_131 = vector.shape_cast %broadcast_in_dim3A_126 : vector<16xf32> to vector<1x16xf32>
      tpu.vector_store %arg8[%swap3A_127, %swap3A_128], %swap3A_131 {strides = array<i32>} : memref<128x128xf32, #tpu.memory_space<vmem>>, vector<1x16xf32>,
      %broadcast_in_dim3A_132 = arith.constant 0.000000e+00 : f32
      %broadcast_in_dim3A_133 = vector.broadcast %broadcast_in_dim3A_132 : f32 to vector<16xf32>
      %swap3A_134 = arith.index_cast %scan3A_118 : i32 to index
      %swap3A_135 = arith.constant 32 : index
      %swap3A_136 = tpu.vector_load %arg8[%swap3A_134, %swap3A_135] {strides = array<i32>} : memref<128x128xf32, #tpu.memory_space<vmem>>, vector<1x16xf32>,
      %swap3A_137 = vector.shape_cast %swap3A_136 : vector<1x16xf32> to vector<16xf32>
      %swap3A_138 = vector.shape_cast %broadcast_in_dim3A_133 : vector<16xf32> to vector<1x16xf32>
      tpu.vector_store %arg8[%swap3A_134, %swap3A_135], %swap3A_138 {strides = array<i32>} : memref<128x128xf32, #tpu.memory_space<vmem>>, vector<1x16xf32>,
      %broadcast_in_dim3A_139 = arith.constant 0.000000e+00 : f32
      %broadcast_in_dim3A_140 = vector.broadcast %broadcast_in_dim3A_139 : f32 to vector<16xf32>
      %swap3A_141 = arith.index_cast %scan3A_118 : i32 to index
      %swap3A_142 = arith.constant 48 : index
      %swap3A_143 = tpu.vector_load %arg8[%swap3A_141, %swap3A_142] {strides = array<i32>} : memref<128x128xf32, #tpu.memory_space<vmem>>, vector<1x16xf32>,
      %swap3A_144 = vector.shape_cast %swap3A_143 : vector<1x16xf32> to vector<16xf32>
      %swap3A_145 = vector.shape_cast %broadcast_in_dim3A_140 : vector<16xf32> to vector<1x16xf32>
      tpu.vector_store %arg8[%swap3A_141, %swap3A_142], %swap3A_145 {strides = array<i32>} : memref<128x128xf32, #tpu.memory_space<vmem>>, vector<1x16xf32>,
      %broadcast_in_dim3A_146 = arith.constant 0.000000e+00 : f32
      %broadcast_in_dim3A_147 = vector.broadcast %broadcast_in_dim3A_146 : f32 to vector<16xf32>
      %swap3A_148 = arith.index_cast %scan3A_118 : i32 to index
      %swap3A_149 = arith.constant 64 : index
      %swap3A_150 = tpu.vector_load %arg8[%swap3A_148, %swap3A_149] {strides = array<i32>} : memref<128x128xf32, #tpu.memory_space<vmem>>, vector<1x16xf32>,
      %swap3A_151 = vector.shape_cast %swap3A_150 : vector<1x16xf32> to vector<16xf32>
      %swap3A_152 = vector.shape_cast %broadcast_in_dim3A_147 : vector<16xf32> to vector<1x16xf32>
      tpu.vector_store %arg8[%swap3A_148, %swap3A_149], %swap3A_152 {strides = array<i32>} : memref<128x128xf32, #tpu.memory_space<vmem>>, vector<1x16xf32>,
      %broadcast_in_dim3A_153 = arith.constant 0.000000e+00 : f32
      %broadcast_in_dim3A_154 = vector.broadcast %broadcast_in_dim3A_153 : f32 to vector<16xf32>
      %swap3A_155 = arith.index_cast %scan3A_118 : i32 to index
      %swap3A_156 = arith.constant 80 : index
      %swap3A_157 = tpu.vector_load %arg8[%swap3A_155, %swap3A_156] {strides = array<i32>} : memref<128x128xf32, #tpu.memory_space<vmem>>, vector<1x16xf32>,
      %swap3A_158 = vector.shape_cast %swap3A_157 : vector<1x16xf32> to vector<16xf32>
      %swap3A_159 = vector.shape_cast %broadcast_in_dim3A_154 : vector<16xf32> to vector<1x16xf32>
      tpu.vector_store %arg8[%swap3A_155, %swap3A_156], %swap3A_159 {strides = array<i32>} : memref<128x128xf32, #tpu.memory_space<vmem>>, vector<1x16xf32>,
      %broadcast_in_dim3A_160 = arith.constant 0.000000e+00 : f32
      %broadcast_in_dim3A_161 = vector.broadcast %broadcast_in_dim3A_160 : f32 to vector<16xf32>
      %swap3A_162 = arith.index_cast %scan3A_118 : i32 to index
      %swap3A_163 = arith.constant 96 : index
      %swap3A_164 = tpu.vector_load %arg8[%swap3A_162, %swap3A_163] {strides = array<i32>} : memref<128x128xf32, #tpu.memory_space<vmem>>, vector<1x16xf32>,
      %swap3A_165 = vector.shape_cast %swap3A_164 : vector<1x16xf32> to vector<16xf32>
      %swap3A_166 = vector.shape_cast %broadcast_in_dim3A_161 : vector<16xf32> to vector<1x16xf32>
      tpu.vector_store %arg8[%swap3A_162, %swap3A_163], %swap3A_166 {strides = array<i32>} : memref<128x128xf32, #tpu.memory_space<vmem>>, vector<1x16xf32>,
      %broadcast_in_dim3A_167 = arith.constant 0.000000e+00 : f32
      %broadcast_in_dim3A_168 = vector.broadcast %broadcast_in_dim3A_167 : f32 to vector<16xf32>
      %swap3A_169 = arith.index_cast %scan3A_118 : i32 to index
      %swap3A_170 = arith.constant 112 : index
      %swap3A_171 = tpu.vector_load %arg8[%swap3A_169, %swap3A_170] {strides = array<i32>} : memref<128x128xf32, #tpu.memory_space<vmem>>, vector<1x16xf32>,
      %swap3A_172 = vector.shape_cast %swap3A_171 : vector<1x16xf32> to vector<16xf32>
      %swap3A_173 = vector.shape_cast %broadcast_in_dim3A_168 : vector<16xf32> to vector<1x16xf32>
      tpu.vector_store %arg8[%swap3A_169, %swap3A_170], %swap3A_173 {strides = array<i32>} : memref<128x128xf32, #tpu.memory_space<vmem>>, vector<1x16xf32>,
      %scan3A_174 = arith.constant 0 : i32
      scf.yield %scan3A_174 : i32
    }
    %scan3A_6 = arith.constant 128 : i32
    %mul3A_7 = arith.constant 640 : i32
    %mul3A_8 = arith.muli %arg1, %mul3A_7 : i32
    %add3A_9 = arith.constant 0 : i32
    %add3A_10 = arith.addi %mul3A_8, %add3A_9 : i32
    %dma_start3A = arith.constant 0 : i32
    %dma_start3A_11 = tpu.memref_slice %arg10[%add3A_10, %dma_start3A] : memref<10240x128xf32, #tpu.memory_space<vmem_shared>> -> memref<128x128xf32, #tpu.memory_space<vmem_shared>>
    %dma_start3A_12 = arith.constant 0 : i32
    %dma_start3A_13 = tpu.memref_slice %arg10[%add3A_10, %dma_start3A_12] : memref<10240x128xf32, #tpu.memory_space<vmem_shared>> -> memref<128x128xf32, #tpu.memory_space<vmem_shared>>
    tpu.enqueue_dma source(%arg8 : memref<128x128xf32, #tpu.memory_space<vmem>>) target(%dma_start3A_13 : memref<128x128xf32, #tpu.memory_space<vmem_shared>>) target_semaphore(%arg11 : memref<!tpu.dma_semaphore, #tpu.memory_space<semaphore_mem>>)
    %mul3A_14 = arith.constant 640 : i32
    %mul3A_15 = arith.muli %arg1, %mul3A_14 : i32
    %add3A_16 = arith.constant 128 : i32
    %add3A_17 = arith.addi %mul3A_15, %add3A_16 : i32
    %dma_start3A_18 = arith.constant 0 : i32
    %dma_start3A_19 = tpu.memref_slice %arg10[%add3A_17, %dma_start3A_18] : memref<10240x128xf32, #tpu.memory_space<vmem_shared>> -> memref<128x128xf32, #tpu.memory_space<vmem_shared>>
    %dma_start3A_20 = arith.constant 0 : i32
    %dma_start3A_21 = tpu.memref_slice %arg10[%add3A_17, %dma_start3A_20] : memref<10240x128xf32, #tpu.memory_space<vmem_shared>> -> memref<128x128xf32, #tpu.memory_space<vmem_shared>>
    tpu.enqueue_dma source(%arg8 : memref<128x128xf32, #tpu.memory_space<vmem>>) target(%dma_start3A_21 : memref<128x128xf32, #tpu.memory_space<vmem_shared>>) target_semaphore(%arg11 : memref<!tpu.dma_semaphore, #tpu.memory_space<semaphore_mem>>)
    %mul3A_22 = arith.constant 640 : i32
    %mul3A_23 = arith.muli %arg1, %mul3A_22 : i32
    %add3A_24 = arith.constant 256 : i32
    %add3A_25 = arith.addi %mul3A_23, %add3A_24 : i32
    %dma_start3A_26 = arith.constant 0 : i32
    %dma_start3A_27 = tpu.memref_slice %arg10[%add3A_25, %dma_start3A_26] : memref<10240x128xf32, #tpu.memory_space<vmem_shared>> -> memref<128x128xf32, #tpu.memory_space<vmem_shared>>
    %dma_start3A_28 = arith.constant 0 : i32
    %dma_start3A_29 = tpu.memref_slice %arg10[%add3A_25, %dma_start3A_28] : memref<10240x128xf32, #tpu.memory_space<vmem_shared>> -> memref<128x128xf32, #tpu.memory_space<vmem_shared>>
    tpu.enqueue_dma source(%arg8 : memref<128x128xf32, #tpu.memory_space<vmem>>) target(%dma_start3A_29 : memref<128x128xf32, #tpu.memory_space<vmem_shared>>) target_semaphore(%arg11 : memref<!tpu.dma_semaphore, #tpu.memory_space<semaphore_mem>>)
    %mul3A_30 = arith.constant 640 : i32
    %mul3A_31 = arith.muli %arg1, %mul3A_30 : i32
    %add3A_32 = arith.constant 384 : i32
    %add3A_33 = arith.addi %mul3A_31, %add3A_32 : i32
    %dma_start3A_34 = arith.constant 0 : i32
    %dma_start3A_35 = tpu.memref_slice %arg10[%add3A_33, %dma_start3A_34] : memref<10240x128xf32, #tpu.memory_space<vmem_shared>> -> memref<128x128xf32, #tpu.memory_space<vmem_shared>>
    %dma_start3A_36 = arith.constant 0 : i32
    %dma_start3A_37 = tpu.memref_slice %arg10[%add3A_33, %dma_start3A_36] : memref<10240x128xf32, #tpu.memory_space<vmem_shared>> -> memref<128x128xf32, #tpu.memory_space<vmem_shared>>
    tpu.enqueue_dma source(%arg8 : memref<128x128xf32, #tpu.memory_space<vmem>>) target(%dma_start3A_37 : memref<128x128xf32, #tpu.memory_space<vmem_shared>>) target_semaphore(%arg11 : memref<!tpu.dma_semaphore, #tpu.memory_space<semaphore_mem>>)
    %mul3A_38 = arith.constant 640 : i32
    %mul3A_39 = arith.muli %arg1, %mul3A_38 : i32
    %add3A_40 = arith.constant 512 : i32
    %add3A_41 = arith.addi %mul3A_39, %add3A_40 : i32
    %dma_start3A_42 = arith.constant 0 : i32
    %dma_start3A_43 = tpu.memref_slice %arg10[%add3A_41, %dma_start3A_42] : memref<10240x128xf32, #tpu.memory_space<vmem_shared>> -> memref<128x128xf32, #tpu.memory_space<vmem_shared>>
    %dma_start3A_44 = arith.constant 0 : i32
    %dma_start3A_45 = tpu.memref_slice %arg10[%add3A_41, %dma_start3A_44] : memref<10240x128xf32, #tpu.memory_space<vmem_shared>> -> memref<128x128xf32, #tpu.memory_space<vmem_shared>>
    tpu.enqueue_dma source(%arg8 : memref<128x128xf32, #tpu.memory_space<vmem>>) target(%dma_start3A_45 : memref<128x128xf32, #tpu.memory_space<vmem_shared>>) target_semaphore(%arg11 : memref<!tpu.dma_semaphore, #tpu.memory_space<semaphore_mem>>)
    %mul3A_46 = arith.constant 640 : i32
    %mul3A_47 = arith.muli %arg1, %mul3A_46 : i32
    %add3A_48 = arith.constant 0 : i32
    %add3A_49 = arith.addi %mul3A_47, %add3A_48 : i32
    %dma_wait3A = arith.constant 0 : i32
    %dma_wait3A_50 = tpu.memref_slice %arg10[%add3A_49, %dma_wait3A] : memref<10240x128xf32, #tpu.memory_space<vmem_shared>> -> memref<128x128xf32, #tpu.memory_space<vmem_shared>>
    %dma_wait3A_51 = arith.constant 0 : i32
    %dma_wait3A_52 = tpu.memref_slice %arg10[%add3A_49, %dma_wait3A_51] : memref<10240x128xf32, #tpu.memory_space<vmem_shared>> -> memref<128x128xf32, #tpu.memory_space<vmem_shared>>
    tpu.wait_dma2 semaphore(%arg11 : memref<!tpu.dma_semaphore, #tpu.memory_space<semaphore_mem>>) src(%arg8 : memref<128x128xf32, #tpu.memory_space<vmem>>) dst(%dma_wait3A_52 : memref<128x128xf32, #tpu.memory_space<vmem_shared>>)
    %mul3A_53 = arith.constant 640 : i32
    %mul3A_54 = arith.muli %arg1, %mul3A_53 : i32
    %add3A_55 = arith.constant 128 : i32
    %add3A_56 = arith.addi %mul3A_54, %add3A_55 : i32
    %dma_wait3A_57 = arith.constant 0 : i32
    %dma_wait3A_58 = tpu.memref_slice %arg10[%add3A_56, %dma_wait3A_57] : memref<10240x128xf32, #tpu.memory_space<vmem_shared>> -> memref<128x128xf32, #tpu.memory_space<vmem_shared>>
    %dma_wait3A_59 = arith.constant 0 : i32
    %dma_wait3A_60 = tpu.memref_slice %arg10[%add3A_56, %dma_wait3A_59] : memref<10240x128xf32, #tpu.memory_space<vmem_shared>> -> memref<128x128xf32, #tpu.memory_space<vmem_shared>>
    tpu.wait_dma2 semaphore(%arg11 : memref<!tpu.dma_semaphore, #tpu.memory_space<semaphore_mem>>) src(%arg8 : memref<128x128xf32, #tpu.memory_space<vmem>>) dst(%dma_wait3A_60 : memref<128x128xf32, #tpu.memory_space<vmem_shared>>)
    %mul3A_61 = arith.constant 640 : i32
    %mul3A_62 = arith.muli %arg1, %mul3A_61 : i32
    %add3A_63 = arith.constant 256 : i32
    %add3A_64 = arith.addi %mul3A_62, %add3A_63 : i32
    %dma_wait3A_65 = arith.constant 0 : i32
    %dma_wait3A_66 = tpu.memref_slice %arg10[%add3A_64, %dma_wait3A_65] : memref<10240x128xf32, #tpu.memory_space<vmem_shared>> -> memref<128x128xf32, #tpu.memory_space<vmem_shared>>
    %dma_wait3A_67 = arith.constant 0 : i32
    %dma_wait3A_68 = tpu.memref_slice %arg10[%add3A_64, %dma_wait3A_67] : memref<10240x128xf32, #tpu.memory_space<vmem_shared>> -> memref<128x128xf32, #tpu.memory_space<vmem_shared>>
    tpu.wait_dma2 semaphore(%arg11 : memref<!tpu.dma_semaphore, #tpu.memory_space<semaphore_mem>>) src(%arg8 : memref<128x128xf32, #tpu.memory_space<vmem>>) dst(%dma_wait3A_68 : memref<128x128xf32, #tpu.memory_space<vmem_shared>>)
    %mul3A_69 = arith.constant 640 : i32
    %mul3A_70 = arith.muli %arg1, %mul3A_69 : i32
    %add3A_71 = arith.constant 384 : i32
    %add3A_72 = arith.addi %mul3A_70, %add3A_71 : i32
    %dma_wait3A_73 = arith.constant 0 : i32
    %dma_wait3A_74 = tpu.memref_slice %arg10[%add3A_72, %dma_wait3A_73] : memref<10240x128xf32, #tpu.memory_space<vmem_shared>> -> memref<128x128xf32, #tpu.memory_space<vmem_shared>>
    %dma_wait3A_75 = arith.constant 0 : i32
    %dma_wait3A_76 = tpu.memref_slice %arg10[%add3A_72, %dma_wait3A_75] : memref<10240x128xf32, #tpu.memory_space<vmem_shared>> -> memref<128x128xf32, #tpu.memory_space<vmem_shared>>
    tpu.wait_dma2 semaphore(%arg11 : memref<!tpu.dma_semaphore, #tpu.memory_space<semaphore_mem>>) src(%arg8 : memref<128x128xf32, #tpu.memory_space<vmem>>) dst(%dma_wait3A_76 : memref<128x128xf32, #tpu.memory_space<vmem_shared>>)
    %mul3A_77 = arith.constant 640 : i32
    %mul3A_78 = arith.muli %arg1, %mul3A_77 : i32
    %add3A_79 = arith.constant 512 : i32
    %add3A_80 = arith.addi %mul3A_78, %add3A_79 : i32
    %dma_wait3A_81 = arith.constant 0 : i32
    %dma_wait3A_82 = tpu.memref_slice %arg10[%add3A_80, %dma_wait3A_81] : memref<10240x128xf32, #tpu.memory_space<vmem_shared>> -> memref<128x128xf32, #tpu.memory_space<vmem_shared>>
    %dma_wait3A_83 = arith.constant 0 : i32
    %dma_wait3A_84 = tpu.memref_slice %arg10[%add3A_80, %dma_wait3A_83] : memref<10240x128xf32, #tpu.memory_space<vmem_shared>> -> memref<128x128xf32, #tpu.memory_space<vmem_shared>>
    tpu.wait_dma2 semaphore(%arg11 : memref<!tpu.dma_semaphore, #tpu.memory_space<semaphore_mem>>) src(%arg8 : memref<128x128xf32, #tpu.memory_space<vmem>>) dst(%dma_wait3A_84 : memref<128x128xf32, #tpu.memory_space<vmem_shared>>)
    %barrier3A = arith.constant 0 : index
    tpu.barrier barrier_id(%barrier3A)
    "tpu.region"() ({
      %run_scoped3A = tpu.sem_alloc : memref<!tpu.dma_semaphore, #tpu.memory_space<semaphore_mem>>
      %dma_start3A_118 = arith.constant 0 : i32
      %dma_start3A_119 = arith.constant 0 : i32
      %dma_start3A_120 = tpu.memref_slice %arg3[%add3A, %dma_start3A_118, %dma_start3A_119] : memref<32x80x128xi32, #tpu.memory_space<hbm>> -> memref<1x40x128xi32, #tpu.memory_space<hbm>>
      %dma_start3A_121 = tpu.memref_squeeze %dma_start3A_120 : memref<1x40x128xi32, #tpu.memory_space<hbm>> -> memref<40x128xi32, #tpu.memory_space<hbm>>
      %dma_start3A_122 = arith.constant 0 : i32
      %dma_start3A_123 = arith.constant 0 : i32
      %dma_start3A_124 = tpu.memref_slice %arg3[%add3A, %dma_start3A_122, %dma_start3A_123] : memref<32x80x128xi32, #tpu.memory_space<hbm>> -> memref<1x40x128xi32, #tpu.memory_space<hbm>>
      %dma_start3A_125 = tpu.memref_squeeze %dma_start3A_124 : memref<1x40x128xi32, #tpu.memory_space<hbm>> -> memref<40x128xi32, #tpu.memory_space<hbm>>
      tpu.enqueue_dma source(%dma_start3A_125 : memref<40x128xi32, #tpu.memory_space<hbm>>) target(%arg6 : memref<40x128xi32, #tpu.memory_space<vmem>>) target_semaphore(%run_scoped3A : memref<!tpu.dma_semaphore, #tpu.memory_space<semaphore_mem>>)
      %dma_wait3A_126 = arith.constant 0 : i32
      %dma_wait3A_127 = arith.constant 0 : i32
      %dma_wait3A_128 = tpu.memref_slice %arg3[%add3A, %dma_wait3A_126, %dma_wait3A_127] : memref<32x80x128xi32, #tpu.memory_space<hbm>> -> memref<1x40x128xi32, #tpu.memory_space<hbm>>
      %dma_wait3A_129 = tpu.memref_squeeze %dma_wait3A_128 : memref<1x40x128xi32, #tpu.memory_space<hbm>> -> memref<40x128xi32, #tpu.memory_space<hbm>>
      %dma_wait3A_130 = arith.constant 0 : i32
      %dma_wait3A_131 = arith.constant 0 : i32
      %dma_wait3A_132 = tpu.memref_slice %arg3[%add3A, %dma_wait3A_130, %dma_wait3A_131] : memref<32x80x128xi32, #tpu.memory_space<hbm>> -> memref<1x40x128xi32, #tpu.memory_space<hbm>>
      %dma_wait3A_133 = tpu.memref_squeeze %dma_wait3A_132 : memref<1x40x128xi32, #tpu.memory_space<hbm>> -> memref<40x128xi32, #tpu.memory_space<hbm>>
      tpu.wait_dma2 semaphore(%run_scoped3A : memref<!tpu.dma_semaphore, #tpu.memory_space<semaphore_mem>>) src(%dma_wait3A_133 : memref<40x128xi32, #tpu.memory_space<hbm>>) dst(%arg6 : memref<40x128xi32, #tpu.memory_space<vmem>>)
      tpu.yield
    }) : () -> ()
    "tpu.region"() ({
      %run_scoped3A = tpu.sem_alloc : memref<!tpu.dma_semaphore, #tpu.memory_space<semaphore_mem>>
      %dma_start3A_118 = arith.constant 0 : i32
      %dma_start3A_119 = arith.constant 0 : i32
      %dma_start3A_120 = tpu.memref_slice %arg4[%add3A, %dma_start3A_118, %dma_start3A_119] : memref<32x80x128xi32, #tpu.memory_space<hbm>> -> memref<1x40x128xi32, #tpu.memory_space<hbm>>
      %dma_start3A_121 = tpu.memref_squeeze %dma_start3A_120 : memref<1x40x128xi32, #tpu.memory_space<hbm>> -> memref<40x128xi32, #tpu.memory_space<hbm>>
      %dma_start3A_122 = arith.constant 0 : i32
      %dma_start3A_123 = arith.constant 0 : i32
      %dma_start3A_124 = tpu.memref_slice %arg4[%add3A, %dma_start3A_122, %dma_start3A_123] : memref<32x80x128xi32, #tpu.memory_space<hbm>> -> memref<1x40x128xi32, #tpu.memory_space<hbm>>
      %dma_start3A_125 = tpu.memref_squeeze %dma_start3A_124 : memref<1x40x128xi32, #tpu.memory_space<hbm>> -> memref<40x128xi32, #tpu.memory_space<hbm>>
      tpu.enqueue_dma source(%dma_start3A_125 : memref<40x128xi32, #tpu.memory_space<hbm>>) target(%arg7 : memref<40x128xi32, #tpu.memory_space<vmem>>) target_semaphore(%run_scoped3A : memref<!tpu.dma_semaphore, #tpu.memory_space<semaphore_mem>>)
      %dma_wait3A_126 = arith.constant 0 : i32
      %dma_wait3A_127 = arith.constant 0 : i32
      %dma_wait3A_128 = tpu.memref_slice %arg4[%add3A, %dma_wait3A_126, %dma_wait3A_127] : memref<32x80x128xi32, #tpu.memory_space<hbm>> -> memref<1x40x128xi32, #tpu.memory_space<hbm>>
      %dma_wait3A_129 = tpu.memref_squeeze %dma_wait3A_128 : memref<1x40x128xi32, #tpu.memory_space<hbm>> -> memref<40x128xi32, #tpu.memory_space<hbm>>
      %dma_wait3A_130 = arith.constant 0 : i32
      %dma_wait3A_131 = arith.constant 0 : i32
      %dma_wait3A_132 = tpu.memref_slice %arg4[%add3A, %dma_wait3A_130, %dma_wait3A_131] : memref<32x80x128xi32, #tpu.memory_space<hbm>> -> memref<1x40x128xi32, #tpu.memory_space<hbm>>
      %dma_wait3A_133 = tpu.memref_squeeze %dma_wait3A_132 : memref<1x40x128xi32, #tpu.memory_space<hbm>> -> memref<40x128xi32, #tpu.memory_space<hbm>>
      tpu.wait_dma2 semaphore(%run_scoped3A : memref<!tpu.dma_semaphore, #tpu.memory_space<semaphore_mem>>) src(%dma_wait3A_133 : memref<40x128xi32, #tpu.memory_space<hbm>>) dst(%arg7 : memref<40x128xi32, #tpu.memory_space<vmem>>)
      tpu.yield
    }) : () -> ()
    %dma_start3A_85 = arith.constant 0 : i32
    %dma_start3A_86 = arith.constant 0 : i32
    %dma_start3A_87 = tpu.memref_slice %arg6[%dma_start3A_85, %dma_start3A_86] : memref<40x128xi32, #tpu.memory_space<vmem>> -> memref<1x128xi32, #tpu.memory_space<vmem>>
    %dma_start3A_88 = tpu.memref_squeeze %dma_start3A_87 : memref<1x128xi32, #tpu.memory_space<vmem>> -> memref<128xi32, #tpu.memory_space<vmem>>
    %dma_start3A_89 = arith.constant 0 : i32
    %dma_start3A_90 = arith.constant 0 : i32
    %dma_start3A_91 = tpu.memref_slice %arg2[%dma_start3A_89, %dma_start3A_90] : memref<10240x128xf32, #tpu.memory_space<hbm>> -> memref<10240x128xf32, #tpu.memory_space<hbm>>
    tpu.enqueue_indirect_dma source(%dma_start3A_91 : memref<10240x128xf32, #tpu.memory_space<hbm>>) target(%arg8 : memref<128x128xf32, #tpu.memory_space<vmem>>) offsets(%dma_start3A_88 : memref<128xi32, #tpu.memory_space<vmem>>) semaphore(%arg11 : memref<!tpu.dma_semaphore, #tpu.memory_space<semaphore_mem>>)
    %scan3A_92 = arith.constant 0 : i32
    %scan3A_93 = arith.constant 0 : i32
    %scan3A_94 = arith.constant 20 : i32
    %scan3A_95 = arith.addi %scan3A_93, %scan3A_94 : i32
    %scan3A_96 = arith.constant 1 : i32
    %scan3A_97 = scf.for %scan3A_118 = %scan3A_93 to %scan3A_95 step %scan3A_96 iter_args(%scan3A_119 = %scan3A_92) -> (i32)  : i32 {
      %mul3A_120 = arith.constant 2 : i32
      %mul3A_121 = arith.muli %mul3A_120, %scan3A_118 : i32
      %add3A_122 = arith.constant 1 : i32
      %add3A_123 = arith.addi %mul3A_121, %add3A_122 : i32
      %dma_start3A_124 = arith.constant 0 : i32
      %dma_start3A_125 = tpu.memref_slice %arg6[%add3A_123, %dma_start3A_124] : memref<40x128xi32, #tpu.memory_space<vmem>> -> memref<1x128xi32, #tpu.memory_space<vmem>>
      %dma_start3A_126 = tpu.memref_squeeze %dma_start3A_125 : memref<1x128xi32, #tpu.memory_space<vmem>> -> memref<128xi32, #tpu.memory_space<vmem>>
      %dma_start3A_127 = arith.constant 0 : i32
      %dma_start3A_128 = arith.constant 0 : i32
      %dma_start3A_129 = tpu.memref_slice %arg2[%dma_start3A_127, %dma_start3A_128] : memref<10240x128xf32, #tpu.memory_space<hbm>> -> memref<10240x128xf32, #tpu.memory_space<hbm>>
      tpu.enqueue_indirect_dma source(%dma_start3A_129 : memref<10240x128xf32, #tpu.memory_space<hbm>>) target(%arg9 : memref<128x128xf32, #tpu.memory_space<vmem>>) offsets(%dma_start3A_126 : memref<128xi32, #tpu.memory_space<vmem>>) semaphore(%arg12 : memref<!tpu.dma_semaphore, #tpu.memory_space<semaphore_mem>>)
      %dma_wait3A_130 = arith.constant 0 : i32
      %dma_wait3A_131 = tpu.memref_slice %arg6[%mul3A_121, %dma_wait3A_130] : memref<40x128xi32, #tpu.memory_space<vmem>> -> memref<1x128xi32, #tpu.memory_space<vmem>>
      %dma_wait3A_132 = tpu.memref_squeeze %dma_wait3A_131 : memref<1x128xi32, #tpu.memory_space<vmem>> -> memref<128xi32, #tpu.memory_space<vmem>>
      %dma_wait3A_133 = arith.constant 0 : i32
      %dma_wait3A_134 = arith.constant 0 : i32
      %dma_wait3A_135 = tpu.memref_slice %arg2[%dma_wait3A_133, %dma_wait3A_134] : memref<10240x128xf32, #tpu.memory_space<hbm>> -> memref<10240x128xf32, #tpu.memory_space<hbm>>
      tpu.wait_indirect_dma semaphore(%arg11 : memref<!tpu.dma_semaphore, #tpu.memory_space<semaphore_mem>>) src(%dma_wait3A_135 : memref<10240x128xf32, #tpu.memory_space<hbm>>) dst(%arg8 : memref<128x128xf32, #tpu.memory_space<vmem>>)
      "tpu.region"() ({
        %run_scoped3A = tpu.sem_alloc : memref<!tpu.dma_semaphore, #tpu.memory_space<semaphore_mem>>
        %dma_start3A_151 = arith.constant 0 : i32
        %dma_start3A_152 = tpu.memref_slice %arg7[%mul3A_121, %dma_start3A_151] : memref<40x128xi32, #tpu.memory_space<vmem>> -> memref<1x128xi32, #tpu.memory_space<vmem>>
        %dma_start3A_153 = tpu.memref_squeeze %dma_start3A_152 : memref<1x128xi32, #tpu.memory_space<vmem>> -> memref<128xi32, #tpu.memory_space<vmem>>
        %dma_start3A_154 = arith.constant 0 : i32
        %dma_start3A_155 = arith.constant 0 : i32
        %dma_start3A_156 = tpu.memref_slice %arg10[%dma_start3A_154, %dma_start3A_155] : memref<10240x128xf32, #tpu.memory_space<vmem_shared>> -> memref<10240x128xf32, #tpu.memory_space<vmem_shared>>
        tpu.enqueue_indirect_dma source(%arg8 : memref<128x128xf32, #tpu.memory_space<vmem>>) target(%dma_start3A_156 : memref<10240x128xf32, #tpu.memory_space<vmem_shared>>) offsets(%dma_start3A_153 : memref<128xi32, #tpu.memory_space<vmem>>) semaphore(%run_scoped3A : memref<!tpu.dma_semaphore, #tpu.memory_space<semaphore_mem>>) {add = true}
        %dma_wait3A_157 = arith.constant 0 : i32
        %dma_wait3A_158 = tpu.memref_slice %arg7[%mul3A_121, %dma_wait3A_157] : memref<40x128xi32, #tpu.memory_space<vmem>> -> memref<1x128xi32, #tpu.memory_space<vmem>>
        %dma_wait3A_159 = tpu.memref_squeeze %dma_wait3A_158 : memref<1x128xi32, #tpu.memory_space<vmem>> -> memref<128xi32, #tpu.memory_space<vmem>>
        %dma_wait3A_160 = arith.constant 0 : i32
        %dma_wait3A_161 = arith.constant 0 : i32
        %dma_wait3A_162 = tpu.memref_slice %arg10[%dma_wait3A_160, %dma_wait3A_161] : memref<10240x128xf32, #tpu.memory_space<vmem_shared>> -> memref<10240x128xf32, #tpu.memory_space<vmem_shared>>
        tpu.wait_indirect_dma semaphore(%run_scoped3A : memref<!tpu.dma_semaphore, #tpu.memory_space<semaphore_mem>>) src(%arg8 : memref<128x128xf32, #tpu.memory_space<vmem>>) dst(%dma_wait3A_162 : memref<10240x128xf32, #tpu.memory_space<vmem_shared>>)
        tpu.yield
      }) : () -> ()
      %add3A_136 = arith.constant 2 : i32
      %add3A_137 = arith.addi %mul3A_121, %add3A_136 : i32
      %lt3A = arith.constant 40 : i32
      %lt3A_138 = arith.cmpi slt, %add3A_137, %lt3A : i32
      %convert_element_type3A = arith.extui %lt3A_138 : i1 to i32
      %cond3A = arith.constant 0 : i32
      %cond3A_139 = arith.cmpi ne, %convert_element_type3A, %cond3A : i32
      scf.if %cond3A_139 {
        %add3A_151 = arith.constant 2 : i32
        %add3A_152 = arith.addi %mul3A_121, %add3A_151 : i32
        %dma_start3A_153 = arith.constant 0 : i32
        %dma_start3A_154 = tpu.memref_slice %arg6[%add3A_152, %dma_start3A_153] : memref<40x128xi32, #tpu.memory_space<vmem>> -> memref<1x128xi32, #tpu.memory_space<vmem>>
        %dma_start3A_155 = tpu.memref_squeeze %dma_start3A_154 : memref<1x128xi32, #tpu.memory_space<vmem>> -> memref<128xi32, #tpu.memory_space<vmem>>
        %dma_start3A_156 = arith.constant 0 : i32
        %dma_start3A_157 = arith.constant 0 : i32
        %dma_start3A_158 = tpu.memref_slice %arg2[%dma_start3A_156, %dma_start3A_157] : memref<10240x128xf32, #tpu.memory_space<hbm>> -> memref<10240x128xf32, #tpu.memory_space<hbm>>
        tpu.enqueue_indirect_dma source(%dma_start3A_158 : memref<10240x128xf32, #tpu.memory_space<hbm>>) target(%arg8 : memref<128x128xf32, #tpu.memory_space<vmem>>) offsets(%dma_start3A_155 : memref<128xi32, #tpu.memory_space<vmem>>) semaphore(%arg11 : memref<!tpu.dma_semaphore, #tpu.memory_space<semaphore_mem>>)
      } else {
      }
      %add3A_140 = arith.constant 1 : i32
      %add3A_141 = arith.addi %mul3A_121, %add3A_140 : i32
      %dma_wait3A_142 = arith.constant 0 : i32
      %dma_wait3A_143 = tpu.memref_slice %arg6[%add3A_141, %dma_wait3A_142] : memref<40x128xi32, #tpu.memory_space<vmem>> -> memref<1x128xi32, #tpu.memory_space<vmem>>
      %dma_wait3A_144 = tpu.memref_squeeze %dma_wait3A_143 : memref<1x128xi32, #tpu.memory_space<vmem>> -> memref<128xi32, #tpu.memory_space<vmem>>
      %dma_wait3A_145 = arith.constant 0 : i32
      %dma_wait3A_146 = arith.constant 0 : i32
      %dma_wait3A_147 = tpu.memref_slice %arg2[%dma_wait3A_145, %dma_wait3A_146] : memref<10240x128xf32, #tpu.memory_space<hbm>> -> memref<10240x128xf32, #tpu.memory_space<hbm>>
      tpu.wait_indirect_dma semaphore(%arg12 : memref<!tpu.dma_semaphore, #tpu.memory_space<semaphore_mem>>) src(%dma_wait3A_147 : memref<10240x128xf32, #tpu.memory_space<hbm>>) dst(%arg9 : memref<128x128xf32, #tpu.memory_space<vmem>>)
      %add3A_148 = arith.constant 1 : i32
      %add3A_149 = arith.addi %mul3A_121, %add3A_148 : i32
      "tpu.region"() ({
        %run_scoped3A = tpu.sem_alloc : memref<!tpu.dma_semaphore, #tpu.memory_space<semaphore_mem>>
        %dma_start3A_151 = arith.constant 0 : i32
        %dma_start3A_152 = tpu.memref_slice %arg7[%add3A_149, %dma_start3A_151] : memref<40x128xi32, #tpu.memory_space<vmem>> -> memref<1x128xi32, #tpu.memory_space<vmem>>
        %dma_start3A_153 = tpu.memref_squeeze %dma_start3A_152 : memref<1x128xi32, #tpu.memory_space<vmem>> -> memref<128xi32, #tpu.memory_space<vmem>>
        %dma_start3A_154 = arith.constant 0 : i32
        %dma_start3A_155 = arith.constant 0 : i32
        %dma_start3A_156 = tpu.memref_slice %arg10[%dma_start3A_154, %dma_start3A_155] : memref<10240x128xf32, #tpu.memory_space<vmem_shared>> -> memref<10240x128xf32, #tpu.memory_space<vmem_shared>>
        tpu.enqueue_indirect_dma source(%arg9 : memref<128x128xf32, #tpu.memory_space<vmem>>) target(%dma_start3A_156 : memref<10240x128xf32, #tpu.memory_space<vmem_shared>>) offsets(%dma_start3A_153 : memref<128xi32, #tpu.memory_space<vmem>>) semaphore(%run_scoped3A : memref<!tpu.dma_semaphore, #tpu.memory_space<semaphore_mem>>) {add = true}
        %dma_wait3A_157 = arith.constant 0 : i32
        %dma_wait3A_158 = tpu.memref_slice %arg7[%add3A_149, %dma_wait3A_157] : memref<40x128xi32, #tpu.memory_space<vmem>> -> memref<1x128xi32, #tpu.memory_space<vmem>>
        %dma_wait3A_159 = tpu.memref_squeeze %dma_wait3A_158 : memref<1x128xi32, #tpu.memory_space<vmem>> -> memref<128xi32, #tpu.memory_space<vmem>>
        %dma_wait3A_160 = arith.constant 0 : i32
        %dma_wait3A_161 = arith.constant 0 : i32
        %dma_wait3A_162 = tpu.memref_slice %arg10[%dma_wait3A_160, %dma_wait3A_161] : memref<10240x128xf32, #tpu.memory_space<vmem_shared>> -> memref<10240x128xf32, #tpu.memory_space<vmem_shared>>
        tpu.wait_indirect_dma semaphore(%run_scoped3A : memref<!tpu.dma_semaphore, #tpu.memory_space<semaphore_mem>>) src(%arg9 : memref<128x128xf32, #tpu.memory_space<vmem>>) dst(%dma_wait3A_162 : memref<10240x128xf32, #tpu.memory_space<vmem_shared>>)
        tpu.yield
      }) : () -> ()
      %scan3A_150 = arith.constant 0 : i32
      scf.yield %scan3A_150 : i32
    }
    %scan3A_98 = arith.constant 20 : i32
    "tpu.region"() ({
      %run_scoped3A = tpu.sem_alloc : memref<!tpu.dma_semaphore, #tpu.memory_space<semaphore_mem>>
      %dma_start3A_118 = arith.constant 40 : i32
      %dma_start3A_119 = arith.constant 0 : i32
      %dma_start3A_120 = tpu.memref_slice %arg3[%add3A, %dma_start3A_118, %dma_start3A_119] : memref<32x80x128xi32, #tpu.memory_space<hbm>> -> memref<1x40x128xi32, #tpu.memory_space<hbm>>
      %dma_start3A_121 = tpu.memref_squeeze %dma_start3A_120 : memref<1x40x128xi32, #tpu.memory_space<hbm>> -> memref<40x128xi32, #tpu.memory_space<hbm>>
      %dma_start3A_122 = arith.constant 40 : i32
      %dma_start3A_123 = arith.constant 0 : i32
      %dma_start3A_124 = tpu.memref_slice %arg3[%add3A, %dma_start3A_122, %dma_start3A_123] : memref<32x80x128xi32, #tpu.memory_space<hbm>> -> memref<1x40x128xi32, #tpu.memory_space<hbm>>
      %dma_start3A_125 = tpu.memref_squeeze %dma_start3A_124 : memref<1x40x128xi32, #tpu.memory_space<hbm>> -> memref<40x128xi32, #tpu.memory_space<hbm>>
      tpu.enqueue_dma source(%dma_start3A_125 : memref<40x128xi32, #tpu.memory_space<hbm>>) target(%arg6 : memref<40x128xi32, #tpu.memory_space<vmem>>) target_semaphore(%run_scoped3A : memref<!tpu.dma_semaphore, #tpu.memory_space<semaphore_mem>>)
      %dma_wait3A_126 = arith.constant 40 : i32
      %dma_wait3A_127 = arith.constant 0 : i32
      %dma_wait3A_128 = tpu.memref_slice %arg3[%add3A, %dma_wait3A_126, %dma_wait3A_127] : memref<32x80x128xi32, #tpu.memory_space<hbm>> -> memref<1x40x128xi32, #tpu.memory_space<hbm>>
      %dma_wait3A_129 = tpu.memref_squeeze %dma_wait3A_128 : memref<1x40x128xi32, #tpu.memory_space<hbm>> -> memref<40x128xi32, #tpu.memory_space<hbm>>
      %dma_wait3A_130 = arith.constant 40 : i32
      %dma_wait3A_131 = arith.constant 0 : i32
      %dma_wait3A_132 = tpu.memref_slice %arg3[%add3A, %dma_wait3A_130, %dma_wait3A_131] : memref<32x80x128xi32, #tpu.memory_space<hbm>> -> memref<1x40x128xi32, #tpu.memory_space<hbm>>
      %dma_wait3A_133 = tpu.memref_squeeze %dma_wait3A_132 : memref<1x40x128xi32, #tpu.memory_space<hbm>> -> memref<40x128xi32, #tpu.memory_space<hbm>>
      tpu.wait_dma2 semaphore(%run_scoped3A : memref<!tpu.dma_semaphore, #tpu.memory_space<semaphore_mem>>) src(%dma_wait3A_133 : memref<40x128xi32, #tpu.memory_space<hbm>>) dst(%arg6 : memref<40x128xi32, #tpu.memory_space<vmem>>)
      tpu.yield
    }) : () -> ()
    "tpu.region"() ({
      %run_scoped3A = tpu.sem_alloc : memref<!tpu.dma_semaphore, #tpu.memory_space<semaphore_mem>>
      %dma_start3A_118 = arith.constant 40 : i32
      %dma_start3A_119 = arith.constant 0 : i32
      %dma_start3A_120 = tpu.memref_slice %arg4[%add3A, %dma_start3A_118, %dma_start3A_119] : memref<32x80x128xi32, #tpu.memory_space<hbm>> -> memref<1x40x128xi32, #tpu.memory_space<hbm>>
      %dma_start3A_121 = tpu.memref_squeeze %dma_start3A_120 : memref<1x40x128xi32, #tpu.memory_space<hbm>> -> memref<40x128xi32, #tpu.memory_space<hbm>>
      %dma_start3A_122 = arith.constant 40 : i32
      %dma_start3A_123 = arith.constant 0 : i32
      %dma_start3A_124 = tpu.memref_slice %arg4[%add3A, %dma_start3A_122, %dma_start3A_123] : memref<32x80x128xi32, #tpu.memory_space<hbm>> -> memref<1x40x128xi32, #tpu.memory_space<hbm>>
      %dma_start3A_125 = tpu.memref_squeeze %dma_start3A_124 : memref<1x40x128xi32, #tpu.memory_space<hbm>> -> memref<40x128xi32, #tpu.memory_space<hbm>>
      tpu.enqueue_dma source(%dma_start3A_125 : memref<40x128xi32, #tpu.memory_space<hbm>>) target(%arg7 : memref<40x128xi32, #tpu.memory_space<vmem>>) target_semaphore(%run_scoped3A : memref<!tpu.dma_semaphore, #tpu.memory_space<semaphore_mem>>)
      %dma_wait3A_126 = arith.constant 40 : i32
      %dma_wait3A_127 = arith.constant 0 : i32
      %dma_wait3A_128 = tpu.memref_slice %arg4[%add3A, %dma_wait3A_126, %dma_wait3A_127] : memref<32x80x128xi32, #tpu.memory_space<hbm>> -> memref<1x40x128xi32, #tpu.memory_space<hbm>>
      %dma_wait3A_129 = tpu.memref_squeeze %dma_wait3A_128 : memref<1x40x128xi32, #tpu.memory_space<hbm>> -> memref<40x128xi32, #tpu.memory_space<hbm>>
      %dma_wait3A_130 = arith.constant 40 : i32
      %dma_wait3A_131 = arith.constant 0 : i32
      %dma_wait3A_132 = tpu.memref_slice %arg4[%add3A, %dma_wait3A_130, %dma_wait3A_131] : memref<32x80x128xi32, #tpu.memory_space<hbm>> -> memref<1x40x128xi32, #tpu.memory_space<hbm>>
      %dma_wait3A_133 = tpu.memref_squeeze %dma_wait3A_132 : memref<1x40x128xi32, #tpu.memory_space<hbm>> -> memref<40x128xi32, #tpu.memory_space<hbm>>
      tpu.wait_dma2 semaphore(%run_scoped3A : memref<!tpu.dma_semaphore, #tpu.memory_space<semaphore_mem>>) src(%dma_wait3A_133 : memref<40x128xi32, #tpu.memory_space<hbm>>) dst(%arg7 : memref<40x128xi32, #tpu.memory_space<vmem>>)
      tpu.yield
    }) : () -> ()
    %dma_start3A_99 = arith.constant 0 : i32
    %dma_start3A_100 = arith.constant 0 : i32
    %dma_start3A_101 = tpu.memref_slice %arg6[%dma_start3A_99, %dma_start3A_100] : memref<40x128xi32, #tpu.memory_space<vmem>> -> memref<1x128xi32, #tpu.memory_space<vmem>>
    %dma_start3A_102 = tpu.memref_squeeze %dma_start3A_101 : memref<1x128xi32, #tpu.memory_space<vmem>> -> memref<128xi32, #tpu.memory_space<vmem>>
    %dma_start3A_103 = arith.constant 0 : i32
    %dma_start3A_104 = arith.constant 0 : i32
    %dma_start3A_105 = tpu.memref_slice %arg2[%dma_start3A_103, %dma_start3A_104] : memref<10240x128xf32, #tpu.memory_space<hbm>> -> memref<10240x128xf32, #tpu.memory_space<hbm>>
    tpu.enqueue_indirect_dma source(%dma_start3A_105 : memref<10240x128xf32, #tpu.memory_space<hbm>>) target(%arg8 : memref<128x128xf32, #tpu.memory_space<vmem>>) offsets(%dma_start3A_102 : memref<128xi32, #tpu.memory_space<vmem>>) semaphore(%arg11 : memref<!tpu.dma_semaphore, #tpu.memory_space<semaphore_mem>>)
    %scan3A_106 = arith.constant 0 : i32
    %scan3A_107 = arith.constant 0 : i32
    %scan3A_108 = arith.constant 20 : i32
    %scan3A_109 = arith.addi %scan3A_107, %scan3A_108 : i32
    %scan3A_110 = arith.constant 1 : i32
    %scan3A_111 = scf.for %scan3A_118 = %scan3A_107 to %scan3A_109 step %scan3A_110 iter_args(%scan3A_119 = %scan3A_106) -> (i32)  : i32 {
      %mul3A_120 = arith.constant 2 : i32
      %mul3A_121 = arith.muli %mul3A_120, %scan3A_118 : i32
      %add3A_122 = arith.constant 1 : i32
      %add3A_123 = arith.addi %mul3A_121, %add3A_122 : i32
      %dma_start3A_124 = arith.constant 0 : i32
      %dma_start3A_125 = tpu.memref_slice %arg6[%add3A_123, %dma_start3A_124] : memref<40x128xi32, #tpu.memory_space<vmem>> -> memref<1x128xi32, #tpu.memory_space<vmem>>
      %dma_start3A_126 = tpu.memref_squeeze %dma_start3A_125 : memref<1x128xi32, #tpu.memory_space<vmem>> -> memref<128xi32, #tpu.memory_space<vmem>>
      %dma_start3A_127 = arith.constant 0 : i32
      %dma_start3A_128 = arith.constant 0 : i32
      %dma_start3A_129 = tpu.memref_slice %arg2[%dma_start3A_127, %dma_start3A_128] : memref<10240x128xf32, #tpu.memory_space<hbm>> -> memref<10240x128xf32, #tpu.memory_space<hbm>>
      tpu.enqueue_indirect_dma source(%dma_start3A_129 : memref<10240x128xf32, #tpu.memory_space<hbm>>) target(%arg9 : memref<128x128xf32, #tpu.memory_space<vmem>>) offsets(%dma_start3A_126 : memref<128xi32, #tpu.memory_space<vmem>>) semaphore(%arg12 : memref<!tpu.dma_semaphore, #tpu.memory_space<semaphore_mem>>)
      %dma_wait3A_130 = arith.constant 0 : i32
      %dma_wait3A_131 = tpu.memref_slice %arg6[%mul3A_121, %dma_wait3A_130] : memref<40x128xi32, #tpu.memory_space<vmem>> -> memref<1x128xi32, #tpu.memory_space<vmem>>
      %dma_wait3A_132 = tpu.memref_squeeze %dma_wait3A_131 : memref<1x128xi32, #tpu.memory_space<vmem>> -> memref<128xi32, #tpu.memory_space<vmem>>
      %dma_wait3A_133 = arith.constant 0 : i32
      %dma_wait3A_134 = arith.constant 0 : i32
      %dma_wait3A_135 = tpu.memref_slice %arg2[%dma_wait3A_133, %dma_wait3A_134] : memref<10240x128xf32, #tpu.memory_space<hbm>> -> memref<10240x128xf32, #tpu.memory_space<hbm>>
      tpu.wait_indirect_dma semaphore(%arg11 : memref<!tpu.dma_semaphore, #tpu.memory_space<semaphore_mem>>) src(%dma_wait3A_135 : memref<10240x128xf32, #tpu.memory_space<hbm>>) dst(%arg8 : memref<128x128xf32, #tpu.memory_space<vmem>>)
      "tpu.region"() ({
        %run_scoped3A = tpu.sem_alloc : memref<!tpu.dma_semaphore, #tpu.memory_space<semaphore_mem>>
        %dma_start3A_151 = arith.constant 0 : i32
        %dma_start3A_152 = tpu.memref_slice %arg7[%mul3A_121, %dma_start3A_151] : memref<40x128xi32, #tpu.memory_space<vmem>> -> memref<1x128xi32, #tpu.memory_space<vmem>>
        %dma_start3A_153 = tpu.memref_squeeze %dma_start3A_152 : memref<1x128xi32, #tpu.memory_space<vmem>> -> memref<128xi32, #tpu.memory_space<vmem>>
        %dma_start3A_154 = arith.constant 0 : i32
        %dma_start3A_155 = arith.constant 0 : i32
        %dma_start3A_156 = tpu.memref_slice %arg10[%dma_start3A_154, %dma_start3A_155] : memref<10240x128xf32, #tpu.memory_space<vmem_shared>> -> memref<10240x128xf32, #tpu.memory_space<vmem_shared>>
        tpu.enqueue_indirect_dma source(%arg8 : memref<128x128xf32, #tpu.memory_space<vmem>>) target(%dma_start3A_156 : memref<10240x128xf32, #tpu.memory_space<vmem_shared>>) offsets(%dma_start3A_153 : memref<128xi32, #tpu.memory_space<vmem>>) semaphore(%run_scoped3A : memref<!tpu.dma_semaphore, #tpu.memory_space<semaphore_mem>>) {add = true}
        %dma_wait3A_157 = arith.constant 0 : i32
        %dma_wait3A_158 = tpu.memref_slice %arg7[%mul3A_121, %dma_wait3A_157] : memref<40x128xi32, #tpu.memory_space<vmem>> -> memref<1x128xi32, #tpu.memory_space<vmem>>
        %dma_wait3A_159 = tpu.memref_squeeze %dma_wait3A_158 : memref<1x128xi32, #tpu.memory_space<vmem>> -> memref<128xi32, #tpu.memory_space<vmem>>
        %dma_wait3A_160 = arith.constant 0 : i32
        %dma_wait3A_161 = arith.constant 0 : i32
        %dma_wait3A_162 = tpu.memref_slice %arg10[%dma_wait3A_160, %dma_wait3A_161] : memref<10240x128xf32, #tpu.memory_space<vmem_shared>> -> memref<10240x128xf32, #tpu.memory_space<vmem_shared>>
        tpu.wait_indirect_dma semaphore(%run_scoped3A : memref<!tpu.dma_semaphore, #tpu.memory_space<semaphore_mem>>) src(%arg8 : memref<128x128xf32, #tpu.memory_space<vmem>>) dst(%dma_wait3A_162 : memref<10240x128xf32, #tpu.memory_space<vmem_shared>>)
        tpu.yield
      }) : () -> ()
      %add3A_136 = arith.constant 2 : i32
      %add3A_137 = arith.addi %mul3A_121, %add3A_136 : i32
      %lt3A = arith.constant 40 : i32
      %lt3A_138 = arith.cmpi slt, %add3A_137, %lt3A : i32
      %convert_element_type3A = arith.extui %lt3A_138 : i1 to i32
      %cond3A = arith.constant 0 : i32
      %cond3A_139 = arith.cmpi ne, %convert_element_type3A, %cond3A : i32
      scf.if %cond3A_139 {
        %add3A_151 = arith.constant 2 : i32
        %add3A_152 = arith.addi %mul3A_121, %add3A_151 : i32
        %dma_start3A_153 = arith.constant 0 : i32
        %dma_start3A_154 = tpu.memref_slice %arg6[%add3A_152, %dma_start3A_153] : memref<40x128xi32, #tpu.memory_space<vmem>> -> memref<1x128xi32, #tpu.memory_space<vmem>>
        %dma_start3A_155 = tpu.memref_squeeze %dma_start3A_154 : memref<1x128xi32, #tpu.memory_space<vmem>> -> memref<128xi32, #tpu.memory_space<vmem>>
        %dma_start3A_156 = arith.constant 0 : i32
        %dma_start3A_157 = arith.constant 0 : i32
        %dma_start3A_158 = tpu.memref_slice %arg2[%dma_start3A_156, %dma_start3A_157] : memref<10240x128xf32, #tpu.memory_space<hbm>> -> memref<10240x128xf32, #tpu.memory_space<hbm>>
        tpu.enqueue_indirect_dma source(%dma_start3A_158 : memref<10240x128xf32, #tpu.memory_space<hbm>>) target(%arg8 : memref<128x128xf32, #tpu.memory_space<vmem>>) offsets(%dma_start3A_155 : memref<128xi32, #tpu.memory_space<vmem>>) semaphore(%arg11 : memref<!tpu.dma_semaphore, #tpu.memory_space<semaphore_mem>>)
      } else {
      }
      %add3A_140 = arith.constant 1 : i32
      %add3A_141 = arith.addi %mul3A_121, %add3A_140 : i32
      %dma_wait3A_142 = arith.constant 0 : i32
      %dma_wait3A_143 = tpu.memref_slice %arg6[%add3A_141, %dma_wait3A_142] : memref<40x128xi32, #tpu.memory_space<vmem>> -> memref<1x128xi32, #tpu.memory_space<vmem>>
      %dma_wait3A_144 = tpu.memref_squeeze %dma_wait3A_143 : memref<1x128xi32, #tpu.memory_space<vmem>> -> memref<128xi32, #tpu.memory_space<vmem>>
      %dma_wait3A_145 = arith.constant 0 : i32
      %dma_wait3A_146 = arith.constant 0 : i32
      %dma_wait3A_147 = tpu.memref_slice %arg2[%dma_wait3A_145, %dma_wait3A_146] : memref<10240x128xf32, #tpu.memory_space<hbm>> -> memref<10240x128xf32, #tpu.memory_space<hbm>>
      tpu.wait_indirect_dma semaphore(%arg12 : memref<!tpu.dma_semaphore, #tpu.memory_space<semaphore_mem>>) src(%dma_wait3A_147 : memref<10240x128xf32, #tpu.memory_space<hbm>>) dst(%arg9 : memref<128x128xf32, #tpu.memory_space<vmem>>)
      %add3A_148 = arith.constant 1 : i32
      %add3A_149 = arith.addi %mul3A_121, %add3A_148 : i32
      "tpu.region"() ({
        %run_scoped3A = tpu.sem_alloc : memref<!tpu.dma_semaphore, #tpu.memory_space<semaphore_mem>>
        %dma_start3A_151 = arith.constant 0 : i32
        %dma_start3A_152 = tpu.memref_slice %arg7[%add3A_149, %dma_start3A_151] : memref<40x128xi32, #tpu.memory_space<vmem>> -> memref<1x128xi32, #tpu.memory_space<vmem>>
        %dma_start3A_153 = tpu.memref_squeeze %dma_start3A_152 : memref<1x128xi32, #tpu.memory_space<vmem>> -> memref<128xi32, #tpu.memory_space<vmem>>
        %dma_start3A_154 = arith.constant 0 : i32
        %dma_start3A_155 = arith.constant 0 : i32
        %dma_start3A_156 = tpu.memref_slice %arg10[%dma_start3A_154, %dma_start3A_155] : memref<10240x128xf32, #tpu.memory_space<vmem_shared>> -> memref<10240x128xf32, #tpu.memory_space<vmem_shared>>
        tpu.enqueue_indirect_dma source(%arg9 : memref<128x128xf32, #tpu.memory_space<vmem>>) target(%dma_start3A_156 : memref<10240x128xf32, #tpu.memory_space<vmem_shared>>) offsets(%dma_start3A_153 : memref<128xi32, #tpu.memory_space<vmem>>) semaphore(%run_scoped3A : memref<!tpu.dma_semaphore, #tpu.memory_space<semaphore_mem>>) {add = true}
        %dma_wait3A_157 = arith.constant 0 : i32
        %dma_wait3A_158 = tpu.memref_slice %arg7[%add3A_149, %dma_wait3A_157] : memref<40x128xi32, #tpu.memory_space<vmem>> -> memref<1x128xi32, #tpu.memory_space<vmem>>
        %dma_wait3A_159 = tpu.memref_squeeze %dma_wait3A_158 : memref<1x128xi32, #tpu.memory_space<vmem>> -> memref<128xi32, #tpu.memory_space<vmem>>
        %dma_wait3A_160 = arith.constant 0 : i32
        %dma_wait3A_161 = arith.constant 0 : i32
        %dma_wait3A_162 = tpu.memref_slice %arg10[%dma_wait3A_160, %dma_wait3A_161] : memref<10240x128xf32, #tpu.memory_space<vmem_shared>> -> memref<10240x128xf32, #tpu.memory_space<vmem_shared>>
        tpu.wait_indirect_dma semaphore(%run_scoped3A : memref<!tpu.dma_semaphore, #tpu.memory_space<semaphore_mem>>) src(%arg9 : memref<128x128xf32, #tpu.memory_space<vmem>>) dst(%dma_wait3A_162 : memref<10240x128xf32, #tpu.memory_space<vmem_shared>>)
        tpu.yield
      }) : () -> ()
      %scan3A_150 = arith.constant 0 : i32
      scf.yield %scan3A_150 : i32
    }
    %scan3A_112 = arith.constant 20 : i32
    %barrier3A_113 = arith.constant 0 : index
    tpu.barrier barrier_id(%barrier3A_113)
    %mul3A_114 = arith.constant 640 : i32
    %mul3A_115 = arith.muli %arg1, %mul3A_114 : i32
    %mul3A_116 = arith.constant 640 : i32
    %mul3A_117 = arith.muli %arg1, %mul3A_116 : i32
    "tpu.region"() ({
      %run_scoped3A = tpu.sem_alloc : memref<!tpu.dma_semaphore, #tpu.memory_space<semaphore_mem>>
      %dma_start3A_118 = arith.constant 0 : i32
      %dma_start3A_119 = tpu.memref_slice %arg5[%arg0, %mul3A_117, %dma_start3A_118] : memref<2x10240x128xf32, #tpu.memory_space<hbm>> -> memref<1x640x128xf32, #tpu.memory_space<hbm>>
      %dma_start3A_120 = tpu.memref_squeeze %dma_start3A_119 : memref<1x640x128xf32, #tpu.memory_space<hbm>> -> memref<640x128xf32, #tpu.memory_space<hbm>>
      %dma_start3A_121 = arith.constant 0 : i32
      %dma_start3A_122 = tpu.memref_slice %arg10[%mul3A_115, %dma_start3A_121] : memref<10240x128xf32, #tpu.memory_space<vmem_shared>> -> memref<640x128xf32, #tpu.memory_space<vmem_shared>>
      tpu.enqueue_dma source(%dma_start3A_122 : memref<640x128xf32, #tpu.memory_space<vmem_shared>>) target(%dma_start3A_120 : memref<640x128xf32, #tpu.memory_space<hbm>>) target_semaphore(%run_scoped3A : memref<!tpu.dma_semaphore, #tpu.memory_space<semaphore_mem>>)
      %dma_wait3A_123 = arith.constant 0 : i32
      %dma_wait3A_124 = tpu.memref_slice %arg5[%arg0, %mul3A_117, %dma_wait3A_123] : memref<2x10240x128xf32, #tpu.memory_space<hbm>> -> memref<1x640x128xf32, #tpu.memory_space<hbm>>
      %dma_wait3A_125 = tpu.memref_squeeze %dma_wait3A_124 : memref<1x640x128xf32, #tpu.memory_space<hbm>> -> memref<640x128xf32, #tpu.memory_space<hbm>>
      %dma_wait3A_126 = arith.constant 0 : i32
      %dma_wait3A_127 = tpu.memref_slice %arg10[%mul3A_115, %dma_wait3A_126] : memref<10240x128xf32, #tpu.memory_space<vmem_shared>> -> memref<640x128xf32, #tpu.memory_space<vmem_shared>>
      tpu.wait_dma2 semaphore(%run_scoped3A : memref<!tpu.dma_semaphore, #tpu.memory_space<semaphore_mem>>) src(%dma_wait3A_127 : memref<640x128xf32, #tpu.memory_space<vmem_shared>>) dst(%dma_wait3A_125 : memref<640x128xf32, #tpu.memory_space<hbm>>)
      tpu.yield
    }) : () -> ()
    return
  }
}

#map = affine_map<(d0, d1) -> (0, 0)>
#map1 = affine_map<(d0, d1) -> (0, 0, 0)>
module attributes {stable_mosaic.version = 14 : i64} {
  func.func @_sc_aggregate(%arg0: i32, %arg1: i32, %arg2: memref<10240x128xf32, #tpu.memory_space<hbm>>, %arg3: memref<32x80x128xi32, #tpu.memory_space<hbm>>, %arg4: memref<32x80x128xi32, #tpu.memory_space<hbm>>, %arg5: memref<2x10240x128xf32, #tpu.memory_space<hbm>>, %arg6: memref<40x128xi32, #tpu.memory_space<vmem>>, %arg7: memref<40x128xi32, #tpu.memory_space<vmem>>, %arg8: memref<128x128xf32, #tpu.memory_space<vmem>>, %arg9: memref<128x128xf32, #tpu.memory_space<vmem>>, %arg10: memref<10240x128xf32, #tpu.memory_space<vmem_shared>>, %arg11: memref<!tpu.dma_semaphore, #tpu.memory_space<semaphore_mem>>, %arg12: memref<!tpu.dma_semaphore, #tpu.memory_space<semaphore_mem>>) attributes {dimension_semantics = [#tpu.dimension_semantics<core_parallel>, #tpu.dimension_semantics<subcore_parallel>], iteration_bounds = array<i64: 2, 16>, scalar_prefetch = 0 : i64, scratch_operands = 7 : i64, tpu.core_type = #tpu.core_type<sc_vector_subcore>, window_params = [{transform_indices = #map}, {transform_indices = #map1}, {transform_indices = #map1}, {transform_indices = #map1}]} {
    %mul3A = arith.constant 2 : i32
    %mul3A_0 = arith.muli %arg1, %mul3A : i32
    %add3A = arith.addi %mul3A_0, %arg0 : i32
    %scan3A = arith.constant 0 : i32
    %scan3A_1 = arith.constant 0 : i32
    %scan3A_2 = arith.constant 128 : i32
    %scan3A_3 = arith.addi %scan3A_1, %scan3A_2 : i32
    %scan3A_4 = arith.constant 1 : i32
    %scan3A_5 = scf.for %scan3A_118 = %scan3A_1 to %scan3A_3 step %scan3A_4 iter_args(%scan3A_119 = %scan3A) -> (i32)  : i32 {
      %broadcast_in_dim3A = arith.constant 0.000000e+00 : f32
      %broadcast_in_dim3A_120 = vector.broadcast %broadcast_in_dim3A : f32 to vector<16xf32>
      %swap3A = arith.index_cast %scan3A_118 : i32 to index
      %swap3A_121 = arith.constant 0 : index
      %swap3A_122 = tpu.vector_load %arg8[%swap3A, %swap3A_121] {strides = array<i32>} : memref<128x128xf32, #tpu.memory_space<vmem>>, vector<1x16xf32>,
      %swap3A_123 = vector.shape_cast %swap3A_122 : vector<1x16xf32> to vector<16xf32>
      %swap3A_124 = vector.shape_cast %broadcast_in_dim3A_120 : vector<16xf32> to vector<1x16xf32>
      tpu.vector_store %arg8[%swap3A, %swap3A_121], %swap3A_124 {strides = array<i32>} : memref<128x128xf32, #tpu.memory_space<vmem>>, vector<1x16xf32>,
      %broadcast_in_dim3A_125 = arith.constant 0.000000e+00 : f32
      %broadcast_in_dim3A_126 = vector.broadcast %broadcast_in_dim3A_125 : f32 to vector<16xf32>
      %swap3A_127 = arith.index_cast %scan3A_118 : i32 to index
      %swap3A_128 = arith.constant 16 : index
      %swap3A_129 = tpu.vector_load %arg8[%swap3A_127, %swap3A_128] {strides = array<i32>} : memref<128x128xf32, #tpu.memory_space<vmem>>, vector<1x16xf32>,
      %swap3A_130 = vector.shape_cast %swap3A_129 : vector<1x16xf32> to vector<16xf32>
      %swap3A_131 = vector.shape_cast %broadcast_in_dim3A_126 : vector<16xf32> to vector<1x16xf32>
      tpu.vector_store %arg8[%swap3A_127, %swap3A_128], %swap3A_131 {strides = array<i32>} : memref<128x128xf32, #tpu.memory_space<vmem>>, vector<1x16xf32>,
      %broadcast_in_dim3A_132 = arith.constant 0.000000e+00 : f32
      %broadcast_in_dim3A_133 = vector.broadcast %broadcast_in_dim3A_132 : f32 to vector<16xf32>
      %swap3A_134 = arith.index_cast %scan3A_118 : i32 to index
      %swap3A_135 = arith.constant 32 : index
      %swap3A_136 = tpu.vector_load %arg8[%swap3A_134, %swap3A_135] {strides = array<i32>} : memref<128x128xf32, #tpu.memory_space<vmem>>, vector<1x16xf32>,
      %swap3A_137 = vector.shape_cast %swap3A_136 : vector<1x16xf32> to vector<16xf32>
      %swap3A_138 = vector.shape_cast %broadcast_in_dim3A_133 : vector<16xf32> to vector<1x16xf32>
      tpu.vector_store %arg8[%swap3A_134, %swap3A_135], %swap3A_138 {strides = array<i32>} : memref<128x128xf32, #tpu.memory_space<vmem>>, vector<1x16xf32>,
      %broadcast_in_dim3A_139 = arith.constant 0.000000e+00 : f32
      %broadcast_in_dim3A_140 = vector.broadcast %broadcast_in_dim3A_139 : f32 to vector<16xf32>
      %swap3A_141 = arith.index_cast %scan3A_118 : i32 to index
      %swap3A_142 = arith.constant 48 : index
      %swap3A_143 = tpu.vector_load %arg8[%swap3A_141, %swap3A_142] {strides = array<i32>} : memref<128x128xf32, #tpu.memory_space<vmem>>, vector<1x16xf32>,
      %swap3A_144 = vector.shape_cast %swap3A_143 : vector<1x16xf32> to vector<16xf32>
      %swap3A_145 = vector.shape_cast %broadcast_in_dim3A_140 : vector<16xf32> to vector<1x16xf32>
      tpu.vector_store %arg8[%swap3A_141, %swap3A_142], %swap3A_145 {strides = array<i32>} : memref<128x128xf32, #tpu.memory_space<vmem>>, vector<1x16xf32>,
      %broadcast_in_dim3A_146 = arith.constant 0.000000e+00 : f32
      %broadcast_in_dim3A_147 = vector.broadcast %broadcast_in_dim3A_146 : f32 to vector<16xf32>
      %swap3A_148 = arith.index_cast %scan3A_118 : i32 to index
      %swap3A_149 = arith.constant 64 : index
      %swap3A_150 = tpu.vector_load %arg8[%swap3A_148, %swap3A_149] {strides = array<i32>} : memref<128x128xf32, #tpu.memory_space<vmem>>, vector<1x16xf32>,
      %swap3A_151 = vector.shape_cast %swap3A_150 : vector<1x16xf32> to vector<16xf32>
      %swap3A_152 = vector.shape_cast %broadcast_in_dim3A_147 : vector<16xf32> to vector<1x16xf32>
      tpu.vector_store %arg8[%swap3A_148, %swap3A_149], %swap3A_152 {strides = array<i32>} : memref<128x128xf32, #tpu.memory_space<vmem>>, vector<1x16xf32>,
      %broadcast_in_dim3A_153 = arith.constant 0.000000e+00 : f32
      %broadcast_in_dim3A_154 = vector.broadcast %broadcast_in_dim3A_153 : f32 to vector<16xf32>
      %swap3A_155 = arith.index_cast %scan3A_118 : i32 to index
      %swap3A_156 = arith.constant 80 : index
      %swap3A_157 = tpu.vector_load %arg8[%swap3A_155, %swap3A_156] {strides = array<i32>} : memref<128x128xf32, #tpu.memory_space<vmem>>, vector<1x16xf32>,
      %swap3A_158 = vector.shape_cast %swap3A_157 : vector<1x16xf32> to vector<16xf32>
      %swap3A_159 = vector.shape_cast %broadcast_in_dim3A_154 : vector<16xf32> to vector<1x16xf32>
      tpu.vector_store %arg8[%swap3A_155, %swap3A_156], %swap3A_159 {strides = array<i32>} : memref<128x128xf32, #tpu.memory_space<vmem>>, vector<1x16xf32>,
      %broadcast_in_dim3A_160 = arith.constant 0.000000e+00 : f32
      %broadcast_in_dim3A_161 = vector.broadcast %broadcast_in_dim3A_160 : f32 to vector<16xf32>
      %swap3A_162 = arith.index_cast %scan3A_118 : i32 to index
      %swap3A_163 = arith.constant 96 : index
      %swap3A_164 = tpu.vector_load %arg8[%swap3A_162, %swap3A_163] {strides = array<i32>} : memref<128x128xf32, #tpu.memory_space<vmem>>, vector<1x16xf32>,
      %swap3A_165 = vector.shape_cast %swap3A_164 : vector<1x16xf32> to vector<16xf32>
      %swap3A_166 = vector.shape_cast %broadcast_in_dim3A_161 : vector<16xf32> to vector<1x16xf32>
      tpu.vector_store %arg8[%swap3A_162, %swap3A_163], %swap3A_166 {strides = array<i32>} : memref<128x128xf32, #tpu.memory_space<vmem>>, vector<1x16xf32>,
      %broadcast_in_dim3A_167 = arith.constant 0.000000e+00 : f32
      %broadcast_in_dim3A_168 = vector.broadcast %broadcast_in_dim3A_167 : f32 to vector<16xf32>
      %swap3A_169 = arith.index_cast %scan3A_118 : i32 to index
      %swap3A_170 = arith.constant 112 : index
      %swap3A_171 = tpu.vector_load %arg8[%swap3A_169, %swap3A_170] {strides = array<i32>} : memref<128x128xf32, #tpu.memory_space<vmem>>, vector<1x16xf32>,
      %swap3A_172 = vector.shape_cast %swap3A_171 : vector<1x16xf32> to vector<16xf32>
      %swap3A_173 = vector.shape_cast %broadcast_in_dim3A_168 : vector<16xf32> to vector<1x16xf32>
      tpu.vector_store %arg8[%swap3A_169, %swap3A_170], %swap3A_173 {strides = array<i32>} : memref<128x128xf32, #tpu.memory_space<vmem>>, vector<1x16xf32>,
      %scan3A_174 = arith.constant 0 : i32
      scf.yield %scan3A_174 : i32
    }
    %scan3A_6 = arith.constant 128 : i32
    %mul3A_7 = arith.constant 640 : i32
    %mul3A_8 = arith.muli %arg1, %mul3A_7 : i32
    %add3A_9 = arith.constant 0 : i32
    %add3A_10 = arith.addi %mul3A_8, %add3A_9 : i32
    %dma_start3A = arith.constant 0 : i32
    %dma_start3A_11 = tpu.memref_slice %arg10[%add3A_10, %dma_start3A] : memref<10240x128xf32, #tpu.memory_space<vmem_shared>> -> memref<128x128xf32, #tpu.memory_space<vmem_shared>>
    %dma_start3A_12 = arith.constant 0 : i32
    %dma_start3A_13 = tpu.memref_slice %arg10[%add3A_10, %dma_start3A_12] : memref<10240x128xf32, #tpu.memory_space<vmem_shared>> -> memref<128x128xf32, #tpu.memory_space<vmem_shared>>
    tpu.enqueue_dma source(%arg8 : memref<128x128xf32, #tpu.memory_space<vmem>>) target(%dma_start3A_13 : memref<128x128xf32, #tpu.memory_space<vmem_shared>>) target_semaphore(%arg11 : memref<!tpu.dma_semaphore, #tpu.memory_space<semaphore_mem>>)
    %mul3A_14 = arith.constant 640 : i32
    %mul3A_15 = arith.muli %arg1, %mul3A_14 : i32
    %add3A_16 = arith.constant 128 : i32
    %add3A_17 = arith.addi %mul3A_15, %add3A_16 : i32
    %dma_start3A_18 = arith.constant 0 : i32
    %dma_start3A_19 = tpu.memref_slice %arg10[%add3A_17, %dma_start3A_18] : memref<10240x128xf32, #tpu.memory_space<vmem_shared>> -> memref<128x128xf32, #tpu.memory_space<vmem_shared>>
    %dma_start3A_20 = arith.constant 0 : i32
    %dma_start3A_21 = tpu.memref_slice %arg10[%add3A_17, %dma_start3A_20] : memref<10240x128xf32, #tpu.memory_space<vmem_shared>> -> memref<128x128xf32, #tpu.memory_space<vmem_shared>>
    tpu.enqueue_dma source(%arg8 : memref<128x128xf32, #tpu.memory_space<vmem>>) target(%dma_start3A_21 : memref<128x128xf32, #tpu.memory_space<vmem_shared>>) target_semaphore(%arg11 : memref<!tpu.dma_semaphore, #tpu.memory_space<semaphore_mem>>)
    %mul3A_22 = arith.constant 640 : i32
    %mul3A_23 = arith.muli %arg1, %mul3A_22 : i32
    %add3A_24 = arith.constant 256 : i32
    %add3A_25 = arith.addi %mul3A_23, %add3A_24 : i32
    %dma_start3A_26 = arith.constant 0 : i32
    %dma_start3A_27 = tpu.memref_slice %arg10[%add3A_25, %dma_start3A_26] : memref<10240x128xf32, #tpu.memory_space<vmem_shared>> -> memref<128x128xf32, #tpu.memory_space<vmem_shared>>
    %dma_start3A_28 = arith.constant 0 : i32
    %dma_start3A_29 = tpu.memref_slice %arg10[%add3A_25, %dma_start3A_28] : memref<10240x128xf32, #tpu.memory_space<vmem_shared>> -> memref<128x128xf32, #tpu.memory_space<vmem_shared>>
    tpu.enqueue_dma source(%arg8 : memref<128x128xf32, #tpu.memory_space<vmem>>) target(%dma_start3A_29 : memref<128x128xf32, #tpu.memory_space<vmem_shared>>) target_semaphore(%arg11 : memref<!tpu.dma_semaphore, #tpu.memory_space<semaphore_mem>>)
    %mul3A_30 = arith.constant 640 : i32
    %mul3A_31 = arith.muli %arg1, %mul3A_30 : i32
    %add3A_32 = arith.constant 384 : i32
    %add3A_33 = arith.addi %mul3A_31, %add3A_32 : i32
    %dma_start3A_34 = arith.constant 0 : i32
    %dma_start3A_35 = tpu.memref_slice %arg10[%add3A_33, %dma_start3A_34] : memref<10240x128xf32, #tpu.memory_space<vmem_shared>> -> memref<128x128xf32, #tpu.memory_space<vmem_shared>>
    %dma_start3A_36 = arith.constant 0 : i32
    %dma_start3A_37 = tpu.memref_slice %arg10[%add3A_33, %dma_start3A_36] : memref<10240x128xf32, #tpu.memory_space<vmem_shared>> -> memref<128x128xf32, #tpu.memory_space<vmem_shared>>
    tpu.enqueue_dma source(%arg8 : memref<128x128xf32, #tpu.memory_space<vmem>>) target(%dma_start3A_37 : memref<128x128xf32, #tpu.memory_space<vmem_shared>>) target_semaphore(%arg11 : memref<!tpu.dma_semaphore, #tpu.memory_space<semaphore_mem>>)
    %mul3A_38 = arith.constant 640 : i32
    %mul3A_39 = arith.muli %arg1, %mul3A_38 : i32
    %add3A_40 = arith.constant 512 : i32
    %add3A_41 = arith.addi %mul3A_39, %add3A_40 : i32
    %dma_start3A_42 = arith.constant 0 : i32
    %dma_start3A_43 = tpu.memref_slice %arg10[%add3A_41, %dma_start3A_42] : memref<10240x128xf32, #tpu.memory_space<vmem_shared>> -> memref<128x128xf32, #tpu.memory_space<vmem_shared>>
    %dma_start3A_44 = arith.constant 0 : i32
    %dma_start3A_45 = tpu.memref_slice %arg10[%add3A_41, %dma_start3A_44] : memref<10240x128xf32, #tpu.memory_space<vmem_shared>> -> memref<128x128xf32, #tpu.memory_space<vmem_shared>>
    tpu.enqueue_dma source(%arg8 : memref<128x128xf32, #tpu.memory_space<vmem>>) target(%dma_start3A_45 : memref<128x128xf32, #tpu.memory_space<vmem_shared>>) target_semaphore(%arg11 : memref<!tpu.dma_semaphore, #tpu.memory_space<semaphore_mem>>)
    %mul3A_46 = arith.constant 640 : i32
    %mul3A_47 = arith.muli %arg1, %mul3A_46 : i32
    %add3A_48 = arith.constant 0 : i32
    %add3A_49 = arith.addi %mul3A_47, %add3A_48 : i32
    %dma_wait3A = arith.constant 0 : i32
    %dma_wait3A_50 = tpu.memref_slice %arg10[%add3A_49, %dma_wait3A] : memref<10240x128xf32, #tpu.memory_space<vmem_shared>> -> memref<128x128xf32, #tpu.memory_space<vmem_shared>>
    %dma_wait3A_51 = arith.constant 0 : i32
    %dma_wait3A_52 = tpu.memref_slice %arg10[%add3A_49, %dma_wait3A_51] : memref<10240x128xf32, #tpu.memory_space<vmem_shared>> -> memref<128x128xf32, #tpu.memory_space<vmem_shared>>
    tpu.wait_dma2 semaphore(%arg11 : memref<!tpu.dma_semaphore, #tpu.memory_space<semaphore_mem>>) src(%arg8 : memref<128x128xf32, #tpu.memory_space<vmem>>) dst(%dma_wait3A_52 : memref<128x128xf32, #tpu.memory_space<vmem_shared>>)
    %mul3A_53 = arith.constant 640 : i32
    %mul3A_54 = arith.muli %arg1, %mul3A_53 : i32
    %add3A_55 = arith.constant 128 : i32
    %add3A_56 = arith.addi %mul3A_54, %add3A_55 : i32
    %dma_wait3A_57 = arith.constant 0 : i32
    %dma_wait3A_58 = tpu.memref_slice %arg10[%add3A_56, %dma_wait3A_57] : memref<10240x128xf32, #tpu.memory_space<vmem_shared>> -> memref<128x128xf32, #tpu.memory_space<vmem_shared>>
    %dma_wait3A_59 = arith.constant 0 : i32
    %dma_wait3A_60 = tpu.memref_slice %arg10[%add3A_56, %dma_wait3A_59] : memref<10240x128xf32, #tpu.memory_space<vmem_shared>> -> memref<128x128xf32, #tpu.memory_space<vmem_shared>>
    tpu.wait_dma2 semaphore(%arg11 : memref<!tpu.dma_semaphore, #tpu.memory_space<semaphore_mem>>) src(%arg8 : memref<128x128xf32, #tpu.memory_space<vmem>>) dst(%dma_wait3A_60 : memref<128x128xf32, #tpu.memory_space<vmem_shared>>)
    %mul3A_61 = arith.constant 640 : i32
    %mul3A_62 = arith.muli %arg1, %mul3A_61 : i32
    %add3A_63 = arith.constant 256 : i32
    %add3A_64 = arith.addi %mul3A_62, %add3A_63 : i32
    %dma_wait3A_65 = arith.constant 0 : i32
    %dma_wait3A_66 = tpu.memref_slice %arg10[%add3A_64, %dma_wait3A_65] : memref<10240x128xf32, #tpu.memory_space<vmem_shared>> -> memref<128x128xf32, #tpu.memory_space<vmem_shared>>
    %dma_wait3A_67 = arith.constant 0 : i32
    %dma_wait3A_68 = tpu.memref_slice %arg10[%add3A_64, %dma_wait3A_67] : memref<10240x128xf32, #tpu.memory_space<vmem_shared>> -> memref<128x128xf32, #tpu.memory_space<vmem_shared>>
    tpu.wait_dma2 semaphore(%arg11 : memref<!tpu.dma_semaphore, #tpu.memory_space<semaphore_mem>>) src(%arg8 : memref<128x128xf32, #tpu.memory_space<vmem>>) dst(%dma_wait3A_68 : memref<128x128xf32, #tpu.memory_space<vmem_shared>>)
    %mul3A_69 = arith.constant 640 : i32
    %mul3A_70 = arith.muli %arg1, %mul3A_69 : i32
    %add3A_71 = arith.constant 384 : i32
    %add3A_72 = arith.addi %mul3A_70, %add3A_71 : i32
    %dma_wait3A_73 = arith.constant 0 : i32
    %dma_wait3A_74 = tpu.memref_slice %arg10[%add3A_72, %dma_wait3A_73] : memref<10240x128xf32, #tpu.memory_space<vmem_shared>> -> memref<128x128xf32, #tpu.memory_space<vmem_shared>>
    %dma_wait3A_75 = arith.constant 0 : i32
    %dma_wait3A_76 = tpu.memref_slice %arg10[%add3A_72, %dma_wait3A_75] : memref<10240x128xf32, #tpu.memory_space<vmem_shared>> -> memref<128x128xf32, #tpu.memory_space<vmem_shared>>
    tpu.wait_dma2 semaphore(%arg11 : memref<!tpu.dma_semaphore, #tpu.memory_space<semaphore_mem>>) src(%arg8 : memref<128x128xf32, #tpu.memory_space<vmem>>) dst(%dma_wait3A_76 : memref<128x128xf32, #tpu.memory_space<vmem_shared>>)
    %mul3A_77 = arith.constant 640 : i32
    %mul3A_78 = arith.muli %arg1, %mul3A_77 : i32
    %add3A_79 = arith.constant 512 : i32
    %add3A_80 = arith.addi %mul3A_78, %add3A_79 : i32
    %dma_wait3A_81 = arith.constant 0 : i32
    %dma_wait3A_82 = tpu.memref_slice %arg10[%add3A_80, %dma_wait3A_81] : memref<10240x128xf32, #tpu.memory_space<vmem_shared>> -> memref<128x128xf32, #tpu.memory_space<vmem_shared>>
    %dma_wait3A_83 = arith.constant 0 : i32
    %dma_wait3A_84 = tpu.memref_slice %arg10[%add3A_80, %dma_wait3A_83] : memref<10240x128xf32, #tpu.memory_space<vmem_shared>> -> memref<128x128xf32, #tpu.memory_space<vmem_shared>>
    tpu.wait_dma2 semaphore(%arg11 : memref<!tpu.dma_semaphore, #tpu.memory_space<semaphore_mem>>) src(%arg8 : memref<128x128xf32, #tpu.memory_space<vmem>>) dst(%dma_wait3A_84 : memref<128x128xf32, #tpu.memory_space<vmem_shared>>)
    %barrier3A = arith.constant 0 : index
    tpu.barrier barrier_id(%barrier3A)
    "tpu.region"() ({
      %run_scoped3A = tpu.sem_alloc : memref<!tpu.dma_semaphore, #tpu.memory_space<semaphore_mem>>
      %dma_start3A_118 = arith.constant 0 : i32
      %dma_start3A_119 = arith.constant 0 : i32
      %dma_start3A_120 = tpu.memref_slice %arg3[%add3A, %dma_start3A_118, %dma_start3A_119] : memref<32x80x128xi32, #tpu.memory_space<hbm>> -> memref<1x40x128xi32, #tpu.memory_space<hbm>>
      %dma_start3A_121 = tpu.memref_squeeze %dma_start3A_120 : memref<1x40x128xi32, #tpu.memory_space<hbm>> -> memref<40x128xi32, #tpu.memory_space<hbm>>
      %dma_start3A_122 = arith.constant 0 : i32
      %dma_start3A_123 = arith.constant 0 : i32
      %dma_start3A_124 = tpu.memref_slice %arg3[%add3A, %dma_start3A_122, %dma_start3A_123] : memref<32x80x128xi32, #tpu.memory_space<hbm>> -> memref<1x40x128xi32, #tpu.memory_space<hbm>>
      %dma_start3A_125 = tpu.memref_squeeze %dma_start3A_124 : memref<1x40x128xi32, #tpu.memory_space<hbm>> -> memref<40x128xi32, #tpu.memory_space<hbm>>
      tpu.enqueue_dma source(%dma_start3A_125 : memref<40x128xi32, #tpu.memory_space<hbm>>) target(%arg6 : memref<40x128xi32, #tpu.memory_space<vmem>>) target_semaphore(%run_scoped3A : memref<!tpu.dma_semaphore, #tpu.memory_space<semaphore_mem>>)
      %dma_wait3A_126 = arith.constant 0 : i32
      %dma_wait3A_127 = arith.constant 0 : i32
      %dma_wait3A_128 = tpu.memref_slice %arg3[%add3A, %dma_wait3A_126, %dma_wait3A_127] : memref<32x80x128xi32, #tpu.memory_space<hbm>> -> memref<1x40x128xi32, #tpu.memory_space<hbm>>
      %dma_wait3A_129 = tpu.memref_squeeze %dma_wait3A_128 : memref<1x40x128xi32, #tpu.memory_space<hbm>> -> memref<40x128xi32, #tpu.memory_space<hbm>>
      %dma_wait3A_130 = arith.constant 0 : i32
      %dma_wait3A_131 = arith.constant 0 : i32
      %dma_wait3A_132 = tpu.memref_slice %arg3[%add3A, %dma_wait3A_130, %dma_wait3A_131] : memref<32x80x128xi32, #tpu.memory_space<hbm>> -> memref<1x40x128xi32, #tpu.memory_space<hbm>>
      %dma_wait3A_133 = tpu.memref_squeeze %dma_wait3A_132 : memref<1x40x128xi32, #tpu.memory_space<hbm>> -> memref<40x128xi32, #tpu.memory_space<hbm>>
      tpu.wait_dma2 semaphore(%run_scoped3A : memref<!tpu.dma_semaphore, #tpu.memory_space<semaphore_mem>>) src(%dma_wait3A_133 : memref<40x128xi32, #tpu.memory_space<hbm>>) dst(%arg6 : memref<40x128xi32, #tpu.memory_space<vmem>>)
      tpu.yield
    }) : () -> ()
    "tpu.region"() ({
      %run_scoped3A = tpu.sem_alloc : memref<!tpu.dma_semaphore, #tpu.memory_space<semaphore_mem>>
      %dma_start3A_118 = arith.constant 0 : i32
      %dma_start3A_119 = arith.constant 0 : i32
      %dma_start3A_120 = tpu.memref_slice %arg4[%add3A, %dma_start3A_118, %dma_start3A_119] : memref<32x80x128xi32, #tpu.memory_space<hbm>> -> memref<1x40x128xi32, #tpu.memory_space<hbm>>
      %dma_start3A_121 = tpu.memref_squeeze %dma_start3A_120 : memref<1x40x128xi32, #tpu.memory_space<hbm>> -> memref<40x128xi32, #tpu.memory_space<hbm>>
      %dma_start3A_122 = arith.constant 0 : i32
      %dma_start3A_123 = arith.constant 0 : i32
      %dma_start3A_124 = tpu.memref_slice %arg4[%add3A, %dma_start3A_122, %dma_start3A_123] : memref<32x80x128xi32, #tpu.memory_space<hbm>> -> memref<1x40x128xi32, #tpu.memory_space<hbm>>
      %dma_start3A_125 = tpu.memref_squeeze %dma_start3A_124 : memref<1x40x128xi32, #tpu.memory_space<hbm>> -> memref<40x128xi32, #tpu.memory_space<hbm>>
      tpu.enqueue_dma source(%dma_start3A_125 : memref<40x128xi32, #tpu.memory_space<hbm>>) target(%arg7 : memref<40x128xi32, #tpu.memory_space<vmem>>) target_semaphore(%run_scoped3A : memref<!tpu.dma_semaphore, #tpu.memory_space<semaphore_mem>>)
      %dma_wait3A_126 = arith.constant 0 : i32
      %dma_wait3A_127 = arith.constant 0 : i32
      %dma_wait3A_128 = tpu.memref_slice %arg4[%add3A, %dma_wait3A_126, %dma_wait3A_127] : memref<32x80x128xi32, #tpu.memory_space<hbm>> -> memref<1x40x128xi32, #tpu.memory_space<hbm>>
      %dma_wait3A_129 = tpu.memref_squeeze %dma_wait3A_128 : memref<1x40x128xi32, #tpu.memory_space<hbm>> -> memref<40x128xi32, #tpu.memory_space<hbm>>
      %dma_wait3A_130 = arith.constant 0 : i32
      %dma_wait3A_131 = arith.constant 0 : i32
      %dma_wait3A_132 = tpu.memref_slice %arg4[%add3A, %dma_wait3A_130, %dma_wait3A_131] : memref<32x80x128xi32, #tpu.memory_space<hbm>> -> memref<1x40x128xi32, #tpu.memory_space<hbm>>
      %dma_wait3A_133 = tpu.memref_squeeze %dma_wait3A_132 : memref<1x40x128xi32, #tpu.memory_space<hbm>> -> memref<40x128xi32, #tpu.memory_space<hbm>>
      tpu.wait_dma2 semaphore(%run_scoped3A : memref<!tpu.dma_semaphore, #tpu.memory_space<semaphore_mem>>) src(%dma_wait3A_133 : memref<40x128xi32, #tpu.memory_space<hbm>>) dst(%arg7 : memref<40x128xi32, #tpu.memory_space<vmem>>)
      tpu.yield
    }) : () -> ()
    %dma_start3A_85 = arith.constant 0 : i32
    %dma_start3A_86 = arith.constant 0 : i32
    %dma_start3A_87 = tpu.memref_slice %arg6[%dma_start3A_85, %dma_start3A_86] : memref<40x128xi32, #tpu.memory_space<vmem>> -> memref<1x128xi32, #tpu.memory_space<vmem>>
    %dma_start3A_88 = tpu.memref_squeeze %dma_start3A_87 : memref<1x128xi32, #tpu.memory_space<vmem>> -> memref<128xi32, #tpu.memory_space<vmem>>
    %dma_start3A_89 = arith.constant 0 : i32
    %dma_start3A_90 = arith.constant 0 : i32
    %dma_start3A_91 = tpu.memref_slice %arg2[%dma_start3A_89, %dma_start3A_90] : memref<10240x128xf32, #tpu.memory_space<hbm>> -> memref<10240x128xf32, #tpu.memory_space<hbm>>
    tpu.enqueue_indirect_dma source(%dma_start3A_91 : memref<10240x128xf32, #tpu.memory_space<hbm>>) target(%arg8 : memref<128x128xf32, #tpu.memory_space<vmem>>) offsets(%dma_start3A_88 : memref<128xi32, #tpu.memory_space<vmem>>) semaphore(%arg11 : memref<!tpu.dma_semaphore, #tpu.memory_space<semaphore_mem>>)
    %scan3A_92 = arith.constant 0 : i32
    %scan3A_93 = arith.constant 0 : i32
    %scan3A_94 = arith.constant 20 : i32
    %scan3A_95 = arith.addi %scan3A_93, %scan3A_94 : i32
    %scan3A_96 = arith.constant 1 : i32
    %scan3A_97 = scf.for %scan3A_118 = %scan3A_93 to %scan3A_95 step %scan3A_96 iter_args(%scan3A_119 = %scan3A_92) -> (i32)  : i32 {
      %mul3A_120 = arith.constant 2 : i32
      %mul3A_121 = arith.muli %mul3A_120, %scan3A_118 : i32
      %add3A_122 = arith.constant 1 : i32
      %add3A_123 = arith.addi %mul3A_121, %add3A_122 : i32
      %dma_start3A_124 = arith.constant 0 : i32
      %dma_start3A_125 = tpu.memref_slice %arg6[%add3A_123, %dma_start3A_124] : memref<40x128xi32, #tpu.memory_space<vmem>> -> memref<1x128xi32, #tpu.memory_space<vmem>>
      %dma_start3A_126 = tpu.memref_squeeze %dma_start3A_125 : memref<1x128xi32, #tpu.memory_space<vmem>> -> memref<128xi32, #tpu.memory_space<vmem>>
      %dma_start3A_127 = arith.constant 0 : i32
      %dma_start3A_128 = arith.constant 0 : i32
      %dma_start3A_129 = tpu.memref_slice %arg2[%dma_start3A_127, %dma_start3A_128] : memref<10240x128xf32, #tpu.memory_space<hbm>> -> memref<10240x128xf32, #tpu.memory_space<hbm>>
      tpu.enqueue_indirect_dma source(%dma_start3A_129 : memref<10240x128xf32, #tpu.memory_space<hbm>>) target(%arg9 : memref<128x128xf32, #tpu.memory_space<vmem>>) offsets(%dma_start3A_126 : memref<128xi32, #tpu.memory_space<vmem>>) semaphore(%arg12 : memref<!tpu.dma_semaphore, #tpu.memory_space<semaphore_mem>>)
      %dma_wait3A_130 = arith.constant 0 : i32
      %dma_wait3A_131 = tpu.memref_slice %arg6[%mul3A_121, %dma_wait3A_130] : memref<40x128xi32, #tpu.memory_space<vmem>> -> memref<1x128xi32, #tpu.memory_space<vmem>>
      %dma_wait3A_132 = tpu.memref_squeeze %dma_wait3A_131 : memref<1x128xi32, #tpu.memory_space<vmem>> -> memref<128xi32, #tpu.memory_space<vmem>>
      %dma_wait3A_133 = arith.constant 0 : i32
      %dma_wait3A_134 = arith.constant 0 : i32
      %dma_wait3A_135 = tpu.memref_slice %arg2[%dma_wait3A_133, %dma_wait3A_134] : memref<10240x128xf32, #tpu.memory_space<hbm>> -> memref<10240x128xf32, #tpu.memory_space<hbm>>
      tpu.wait_indirect_dma semaphore(%arg11 : memref<!tpu.dma_semaphore, #tpu.memory_space<semaphore_mem>>) src(%dma_wait3A_135 : memref<10240x128xf32, #tpu.memory_space<hbm>>) dst(%arg8 : memref<128x128xf32, #tpu.memory_space<vmem>>)
      "tpu.region"() ({
        %run_scoped3A = tpu.sem_alloc : memref<!tpu.dma_semaphore, #tpu.memory_space<semaphore_mem>>
        %dma_start3A_151 = arith.constant 0 : i32
        %dma_start3A_152 = tpu.memref_slice %arg7[%mul3A_121, %dma_start3A_151] : memref<40x128xi32, #tpu.memory_space<vmem>> -> memref<1x128xi32, #tpu.memory_space<vmem>>
        %dma_start3A_153 = tpu.memref_squeeze %dma_start3A_152 : memref<1x128xi32, #tpu.memory_space<vmem>> -> memref<128xi32, #tpu.memory_space<vmem>>
        %dma_start3A_154 = arith.constant 0 : i32
        %dma_start3A_155 = arith.constant 0 : i32
        %dma_start3A_156 = tpu.memref_slice %arg10[%dma_start3A_154, %dma_start3A_155] : memref<10240x128xf32, #tpu.memory_space<vmem_shared>> -> memref<10240x128xf32, #tpu.memory_space<vmem_shared>>
        tpu.enqueue_indirect_dma source(%arg8 : memref<128x128xf32, #tpu.memory_space<vmem>>) target(%dma_start3A_156 : memref<10240x128xf32, #tpu.memory_space<vmem_shared>>) offsets(%dma_start3A_153 : memref<128xi32, #tpu.memory_space<vmem>>) semaphore(%run_scoped3A : memref<!tpu.dma_semaphore, #tpu.memory_space<semaphore_mem>>) {add = true}
        %dma_wait3A_157 = arith.constant 0 : i32
        %dma_wait3A_158 = tpu.memref_slice %arg7[%mul3A_121, %dma_wait3A_157] : memref<40x128xi32, #tpu.memory_space<vmem>> -> memref<1x128xi32, #tpu.memory_space<vmem>>
        %dma_wait3A_159 = tpu.memref_squeeze %dma_wait3A_158 : memref<1x128xi32, #tpu.memory_space<vmem>> -> memref<128xi32, #tpu.memory_space<vmem>>
        %dma_wait3A_160 = arith.constant 0 : i32
        %dma_wait3A_161 = arith.constant 0 : i32
        %dma_wait3A_162 = tpu.memref_slice %arg10[%dma_wait3A_160, %dma_wait3A_161] : memref<10240x128xf32, #tpu.memory_space<vmem_shared>> -> memref<10240x128xf32, #tpu.memory_space<vmem_shared>>
        tpu.wait_indirect_dma semaphore(%run_scoped3A : memref<!tpu.dma_semaphore, #tpu.memory_space<semaphore_mem>>) src(%arg8 : memref<128x128xf32, #tpu.memory_space<vmem>>) dst(%dma_wait3A_162 : memref<10240x128xf32, #tpu.memory_space<vmem_shared>>)
        tpu.yield
      }) : () -> ()
      %add3A_136 = arith.constant 2 : i32
      %add3A_137 = arith.addi %mul3A_121, %add3A_136 : i32
      %lt3A = arith.constant 40 : i32
      %lt3A_138 = arith.cmpi slt, %add3A_137, %lt3A : i32
      %convert_element_type3A = arith.extui %lt3A_138 : i1 to i32
      %cond3A = arith.constant 0 : i32
      %cond3A_139 = arith.cmpi ne, %convert_element_type3A, %cond3A : i32
      scf.if %cond3A_139 {
        %add3A_151 = arith.constant 2 : i32
        %add3A_152 = arith.addi %mul3A_121, %add3A_151 : i32
        %dma_start3A_153 = arith.constant 0 : i32
        %dma_start3A_154 = tpu.memref_slice %arg6[%add3A_152, %dma_start3A_153] : memref<40x128xi32, #tpu.memory_space<vmem>> -> memref<1x128xi32, #tpu.memory_space<vmem>>
        %dma_start3A_155 = tpu.memref_squeeze %dma_start3A_154 : memref<1x128xi32, #tpu.memory_space<vmem>> -> memref<128xi32, #tpu.memory_space<vmem>>
        %dma_start3A_156 = arith.constant 0 : i32
        %dma_start3A_157 = arith.constant 0 : i32
        %dma_start3A_158 = tpu.memref_slice %arg2[%dma_start3A_156, %dma_start3A_157] : memref<10240x128xf32, #tpu.memory_space<hbm>> -> memref<10240x128xf32, #tpu.memory_space<hbm>>
        tpu.enqueue_indirect_dma source(%dma_start3A_158 : memref<10240x128xf32, #tpu.memory_space<hbm>>) target(%arg8 : memref<128x128xf32, #tpu.memory_space<vmem>>) offsets(%dma_start3A_155 : memref<128xi32, #tpu.memory_space<vmem>>) semaphore(%arg11 : memref<!tpu.dma_semaphore, #tpu.memory_space<semaphore_mem>>)
      } else {
      }
      %add3A_140 = arith.constant 1 : i32
      %add3A_141 = arith.addi %mul3A_121, %add3A_140 : i32
      %dma_wait3A_142 = arith.constant 0 : i32
      %dma_wait3A_143 = tpu.memref_slice %arg6[%add3A_141, %dma_wait3A_142] : memref<40x128xi32, #tpu.memory_space<vmem>> -> memref<1x128xi32, #tpu.memory_space<vmem>>
      %dma_wait3A_144 = tpu.memref_squeeze %dma_wait3A_143 : memref<1x128xi32, #tpu.memory_space<vmem>> -> memref<128xi32, #tpu.memory_space<vmem>>
      %dma_wait3A_145 = arith.constant 0 : i32
      %dma_wait3A_146 = arith.constant 0 : i32
      %dma_wait3A_147 = tpu.memref_slice %arg2[%dma_wait3A_145, %dma_wait3A_146] : memref<10240x128xf32, #tpu.memory_space<hbm>> -> memref<10240x128xf32, #tpu.memory_space<hbm>>
      tpu.wait_indirect_dma semaphore(%arg12 : memref<!tpu.dma_semaphore, #tpu.memory_space<semaphore_mem>>) src(%dma_wait3A_147 : memref<10240x128xf32, #tpu.memory_space<hbm>>) dst(%arg9 : memref<128x128xf32, #tpu.memory_space<vmem>>)
      %add3A_148 = arith.constant 1 : i32
      %add3A_149 = arith.addi %mul3A_121, %add3A_148 : i32
      "tpu.region"() ({
        %run_scoped3A = tpu.sem_alloc : memref<!tpu.dma_semaphore, #tpu.memory_space<semaphore_mem>>
        %dma_start3A_151 = arith.constant 0 : i32
        %dma_start3A_152 = tpu.memref_slice %arg7[%add3A_149, %dma_start3A_151] : memref<40x128xi32, #tpu.memory_space<vmem>> -> memref<1x128xi32, #tpu.memory_space<vmem>>
        %dma_start3A_153 = tpu.memref_squeeze %dma_start3A_152 : memref<1x128xi32, #tpu.memory_space<vmem>> -> memref<128xi32, #tpu.memory_space<vmem>>
        %dma_start3A_154 = arith.constant 0 : i32
        %dma_start3A_155 = arith.constant 0 : i32
        %dma_start3A_156 = tpu.memref_slice %arg10[%dma_start3A_154, %dma_start3A_155] : memref<10240x128xf32, #tpu.memory_space<vmem_shared>> -> memref<10240x128xf32, #tpu.memory_space<vmem_shared>>
        tpu.enqueue_indirect_dma source(%arg9 : memref<128x128xf32, #tpu.memory_space<vmem>>) target(%dma_start3A_156 : memref<10240x128xf32, #tpu.memory_space<vmem_shared>>) offsets(%dma_start3A_153 : memref<128xi32, #tpu.memory_space<vmem>>) semaphore(%run_scoped3A : memref<!tpu.dma_semaphore, #tpu.memory_space<semaphore_mem>>) {add = true}
        %dma_wait3A_157 = arith.constant 0 : i32
        %dma_wait3A_158 = tpu.memref_slice %arg7[%add3A_149, %dma_wait3A_157] : memref<40x128xi32, #tpu.memory_space<vmem>> -> memref<1x128xi32, #tpu.memory_space<vmem>>
        %dma_wait3A_159 = tpu.memref_squeeze %dma_wait3A_158 : memref<1x128xi32, #tpu.memory_space<vmem>> -> memref<128xi32, #tpu.memory_space<vmem>>
        %dma_wait3A_160 = arith.constant 0 : i32
        %dma_wait3A_161 = arith.constant 0 : i32
        %dma_wait3A_162 = tpu.memref_slice %arg10[%dma_wait3A_160, %dma_wait3A_161] : memref<10240x128xf32, #tpu.memory_space<vmem_shared>> -> memref<10240x128xf32, #tpu.memory_space<vmem_shared>>
        tpu.wait_indirect_dma semaphore(%run_scoped3A : memref<!tpu.dma_semaphore, #tpu.memory_space<semaphore_mem>>) src(%arg9 : memref<128x128xf32, #tpu.memory_space<vmem>>) dst(%dma_wait3A_162 : memref<10240x128xf32, #tpu.memory_space<vmem_shared>>)
        tpu.yield
      }) : () -> ()
      %scan3A_150 = arith.constant 0 : i32
      scf.yield %scan3A_150 : i32
    }
    %scan3A_98 = arith.constant 20 : i32
    "tpu.region"() ({
      %run_scoped3A = tpu.sem_alloc : memref<!tpu.dma_semaphore, #tpu.memory_space<semaphore_mem>>
      %dma_start3A_118 = arith.constant 40 : i32
      %dma_start3A_119 = arith.constant 0 : i32
      %dma_start3A_120 = tpu.memref_slice %arg3[%add3A, %dma_start3A_118, %dma_start3A_119] : memref<32x80x128xi32, #tpu.memory_space<hbm>> -> memref<1x40x128xi32, #tpu.memory_space<hbm>>
      %dma_start3A_121 = tpu.memref_squeeze %dma_start3A_120 : memref<1x40x128xi32, #tpu.memory_space<hbm>> -> memref<40x128xi32, #tpu.memory_space<hbm>>
      %dma_start3A_122 = arith.constant 40 : i32
      %dma_start3A_123 = arith.constant 0 : i32
      %dma_start3A_124 = tpu.memref_slice %arg3[%add3A, %dma_start3A_122, %dma_start3A_123] : memref<32x80x128xi32, #tpu.memory_space<hbm>> -> memref<1x40x128xi32, #tpu.memory_space<hbm>>
      %dma_start3A_125 = tpu.memref_squeeze %dma_start3A_124 : memref<1x40x128xi32, #tpu.memory_space<hbm>> -> memref<40x128xi32, #tpu.memory_space<hbm>>
      tpu.enqueue_dma source(%dma_start3A_125 : memref<40x128xi32, #tpu.memory_space<hbm>>) target(%arg6 : memref<40x128xi32, #tpu.memory_space<vmem>>) target_semaphore(%run_scoped3A : memref<!tpu.dma_semaphore, #tpu.memory_space<semaphore_mem>>)
      %dma_wait3A_126 = arith.constant 40 : i32
      %dma_wait3A_127 = arith.constant 0 : i32
      %dma_wait3A_128 = tpu.memref_slice %arg3[%add3A, %dma_wait3A_126, %dma_wait3A_127] : memref<32x80x128xi32, #tpu.memory_space<hbm>> -> memref<1x40x128xi32, #tpu.memory_space<hbm>>
      %dma_wait3A_129 = tpu.memref_squeeze %dma_wait3A_128 : memref<1x40x128xi32, #tpu.memory_space<hbm>> -> memref<40x128xi32, #tpu.memory_space<hbm>>
      %dma_wait3A_130 = arith.constant 40 : i32
      %dma_wait3A_131 = arith.constant 0 : i32
      %dma_wait3A_132 = tpu.memref_slice %arg3[%add3A, %dma_wait3A_130, %dma_wait3A_131] : memref<32x80x128xi32, #tpu.memory_space<hbm>> -> memref<1x40x128xi32, #tpu.memory_space<hbm>>
      %dma_wait3A_133 = tpu.memref_squeeze %dma_wait3A_132 : memref<1x40x128xi32, #tpu.memory_space<hbm>> -> memref<40x128xi32, #tpu.memory_space<hbm>>
      tpu.wait_dma2 semaphore(%run_scoped3A : memref<!tpu.dma_semaphore, #tpu.memory_space<semaphore_mem>>) src(%dma_wait3A_133 : memref<40x128xi32, #tpu.memory_space<hbm>>) dst(%arg6 : memref<40x128xi32, #tpu.memory_space<vmem>>)
      tpu.yield
    }) : () -> ()
    "tpu.region"() ({
      %run_scoped3A = tpu.sem_alloc : memref<!tpu.dma_semaphore, #tpu.memory_space<semaphore_mem>>
      %dma_start3A_118 = arith.constant 40 : i32
      %dma_start3A_119 = arith.constant 0 : i32
      %dma_start3A_120 = tpu.memref_slice %arg4[%add3A, %dma_start3A_118, %dma_start3A_119] : memref<32x80x128xi32, #tpu.memory_space<hbm>> -> memref<1x40x128xi32, #tpu.memory_space<hbm>>
      %dma_start3A_121 = tpu.memref_squeeze %dma_start3A_120 : memref<1x40x128xi32, #tpu.memory_space<hbm>> -> memref<40x128xi32, #tpu.memory_space<hbm>>
      %dma_start3A_122 = arith.constant 40 : i32
      %dma_start3A_123 = arith.constant 0 : i32
      %dma_start3A_124 = tpu.memref_slice %arg4[%add3A, %dma_start3A_122, %dma_start3A_123] : memref<32x80x128xi32, #tpu.memory_space<hbm>> -> memref<1x40x128xi32, #tpu.memory_space<hbm>>
      %dma_start3A_125 = tpu.memref_squeeze %dma_start3A_124 : memref<1x40x128xi32, #tpu.memory_space<hbm>> -> memref<40x128xi32, #tpu.memory_space<hbm>>
      tpu.enqueue_dma source(%dma_start3A_125 : memref<40x128xi32, #tpu.memory_space<hbm>>) target(%arg7 : memref<40x128xi32, #tpu.memory_space<vmem>>) target_semaphore(%run_scoped3A : memref<!tpu.dma_semaphore, #tpu.memory_space<semaphore_mem>>)
      %dma_wait3A_126 = arith.constant 40 : i32
      %dma_wait3A_127 = arith.constant 0 : i32
      %dma_wait3A_128 = tpu.memref_slice %arg4[%add3A, %dma_wait3A_126, %dma_wait3A_127] : memref<32x80x128xi32, #tpu.memory_space<hbm>> -> memref<1x40x128xi32, #tpu.memory_space<hbm>>
      %dma_wait3A_129 = tpu.memref_squeeze %dma_wait3A_128 : memref<1x40x128xi32, #tpu.memory_space<hbm>> -> memref<40x128xi32, #tpu.memory_space<hbm>>
      %dma_wait3A_130 = arith.constant 40 : i32
      %dma_wait3A_131 = arith.constant 0 : i32
      %dma_wait3A_132 = tpu.memref_slice %arg4[%add3A, %dma_wait3A_130, %dma_wait3A_131] : memref<32x80x128xi32, #tpu.memory_space<hbm>> -> memref<1x40x128xi32, #tpu.memory_space<hbm>>
      %dma_wait3A_133 = tpu.memref_squeeze %dma_wait3A_132 : memref<1x40x128xi32, #tpu.memory_space<hbm>> -> memref<40x128xi32, #tpu.memory_space<hbm>>
      tpu.wait_dma2 semaphore(%run_scoped3A : memref<!tpu.dma_semaphore, #tpu.memory_space<semaphore_mem>>) src(%dma_wait3A_133 : memref<40x128xi32, #tpu.memory_space<hbm>>) dst(%arg7 : memref<40x128xi32, #tpu.memory_space<vmem>>)
      tpu.yield
    }) : () -> ()
    %dma_start3A_99 = arith.constant 0 : i32
    %dma_start3A_100 = arith.constant 0 : i32
    %dma_start3A_101 = tpu.memref_slice %arg6[%dma_start3A_99, %dma_start3A_100] : memref<40x128xi32, #tpu.memory_space<vmem>> -> memref<1x128xi32, #tpu.memory_space<vmem>>
    %dma_start3A_102 = tpu.memref_squeeze %dma_start3A_101 : memref<1x128xi32, #tpu.memory_space<vmem>> -> memref<128xi32, #tpu.memory_space<vmem>>
    %dma_start3A_103 = arith.constant 0 : i32
    %dma_start3A_104 = arith.constant 0 : i32
    %dma_start3A_105 = tpu.memref_slice %arg2[%dma_start3A_103, %dma_start3A_104] : memref<10240x128xf32, #tpu.memory_space<hbm>> -> memref<10240x128xf32, #tpu.memory_space<hbm>>
    tpu.enqueue_indirect_dma source(%dma_start3A_105 : memref<10240x128xf32, #tpu.memory_space<hbm>>) target(%arg8 : memref<128x128xf32, #tpu.memory_space<vmem>>) offsets(%dma_start3A_102 : memref<128xi32, #tpu.memory_space<vmem>>) semaphore(%arg11 : memref<!tpu.dma_semaphore, #tpu.memory_space<semaphore_mem>>)
    %scan3A_106 = arith.constant 0 : i32
    %scan3A_107 = arith.constant 0 : i32
    %scan3A_108 = arith.constant 20 : i32
    %scan3A_109 = arith.addi %scan3A_107, %scan3A_108 : i32
    %scan3A_110 = arith.constant 1 : i32
    %scan3A_111 = scf.for %scan3A_118 = %scan3A_107 to %scan3A_109 step %scan3A_110 iter_args(%scan3A_119 = %scan3A_106) -> (i32)  : i32 {
      %mul3A_120 = arith.constant 2 : i32
      %mul3A_121 = arith.muli %mul3A_120, %scan3A_118 : i32
      %add3A_122 = arith.constant 1 : i32
      %add3A_123 = arith.addi %mul3A_121, %add3A_122 : i32
      %dma_start3A_124 = arith.constant 0 : i32
      %dma_start3A_125 = tpu.memref_slice %arg6[%add3A_123, %dma_start3A_124] : memref<40x128xi32, #tpu.memory_space<vmem>> -> memref<1x128xi32, #tpu.memory_space<vmem>>
      %dma_start3A_126 = tpu.memref_squeeze %dma_start3A_125 : memref<1x128xi32, #tpu.memory_space<vmem>> -> memref<128xi32, #tpu.memory_space<vmem>>
      %dma_start3A_127 = arith.constant 0 : i32
      %dma_start3A_128 = arith.constant 0 : i32
      %dma_start3A_129 = tpu.memref_slice %arg2[%dma_start3A_127, %dma_start3A_128] : memref<10240x128xf32, #tpu.memory_space<hbm>> -> memref<10240x128xf32, #tpu.memory_space<hbm>>
      tpu.enqueue_indirect_dma source(%dma_start3A_129 : memref<10240x128xf32, #tpu.memory_space<hbm>>) target(%arg9 : memref<128x128xf32, #tpu.memory_space<vmem>>) offsets(%dma_start3A_126 : memref<128xi32, #tpu.memory_space<vmem>>) semaphore(%arg12 : memref<!tpu.dma_semaphore, #tpu.memory_space<semaphore_mem>>)
      %dma_wait3A_130 = arith.constant 0 : i32
      %dma_wait3A_131 = tpu.memref_slice %arg6[%mul3A_121, %dma_wait3A_130] : memref<40x128xi32, #tpu.memory_space<vmem>> -> memref<1x128xi32, #tpu.memory_space<vmem>>
      %dma_wait3A_132 = tpu.memref_squeeze %dma_wait3A_131 : memref<1x128xi32, #tpu.memory_space<vmem>> -> memref<128xi32, #tpu.memory_space<vmem>>
      %dma_wait3A_133 = arith.constant 0 : i32
      %dma_wait3A_134 = arith.constant 0 : i32
      %dma_wait3A_135 = tpu.memref_slice %arg2[%dma_wait3A_133, %dma_wait3A_134] : memref<10240x128xf32, #tpu.memory_space<hbm>> -> memref<10240x128xf32, #tpu.memory_space<hbm>>
      tpu.wait_indirect_dma semaphore(%arg11 : memref<!tpu.dma_semaphore, #tpu.memory_space<semaphore_mem>>) src(%dma_wait3A_135 : memref<10240x128xf32, #tpu.memory_space<hbm>>) dst(%arg8 : memref<128x128xf32, #tpu.memory_space<vmem>>)
      "tpu.region"() ({
        %run_scoped3A = tpu.sem_alloc : memref<!tpu.dma_semaphore, #tpu.memory_space<semaphore_mem>>
        %dma_start3A_151 = arith.constant 0 : i32
        %dma_start3A_152 = tpu.memref_slice %arg7[%mul3A_121, %dma_start3A_151] : memref<40x128xi32, #tpu.memory_space<vmem>> -> memref<1x128xi32, #tpu.memory_space<vmem>>
        %dma_start3A_153 = tpu.memref_squeeze %dma_start3A_152 : memref<1x128xi32, #tpu.memory_space<vmem>> -> memref<128xi32, #tpu.memory_space<vmem>>
        %dma_start3A_154 = arith.constant 0 : i32
        %dma_start3A_155 = arith.constant 0 : i32
        %dma_start3A_156 = tpu.memref_slice %arg10[%dma_start3A_154, %dma_start3A_155] : memref<10240x128xf32, #tpu.memory_space<vmem_shared>> -> memref<10240x128xf32, #tpu.memory_space<vmem_shared>>
        tpu.enqueue_indirect_dma source(%arg8 : memref<128x128xf32, #tpu.memory_space<vmem>>) target(%dma_start3A_156 : memref<10240x128xf32, #tpu.memory_space<vmem_shared>>) offsets(%dma_start3A_153 : memref<128xi32, #tpu.memory_space<vmem>>) semaphore(%run_scoped3A : memref<!tpu.dma_semaphore, #tpu.memory_space<semaphore_mem>>) {add = true}
        %dma_wait3A_157 = arith.constant 0 : i32
        %dma_wait3A_158 = tpu.memref_slice %arg7[%mul3A_121, %dma_wait3A_157] : memref<40x128xi32, #tpu.memory_space<vmem>> -> memref<1x128xi32, #tpu.memory_space<vmem>>
        %dma_wait3A_159 = tpu.memref_squeeze %dma_wait3A_158 : memref<1x128xi32, #tpu.memory_space<vmem>> -> memref<128xi32, #tpu.memory_space<vmem>>
        %dma_wait3A_160 = arith.constant 0 : i32
        %dma_wait3A_161 = arith.constant 0 : i32
        %dma_wait3A_162 = tpu.memref_slice %arg10[%dma_wait3A_160, %dma_wait3A_161] : memref<10240x128xf32, #tpu.memory_space<vmem_shared>> -> memref<10240x128xf32, #tpu.memory_space<vmem_shared>>
        tpu.wait_indirect_dma semaphore(%run_scoped3A : memref<!tpu.dma_semaphore, #tpu.memory_space<semaphore_mem>>) src(%arg8 : memref<128x128xf32, #tpu.memory_space<vmem>>) dst(%dma_wait3A_162 : memref<10240x128xf32, #tpu.memory_space<vmem_shared>>)
        tpu.yield
      }) : () -> ()
      %add3A_136 = arith.constant 2 : i32
      %add3A_137 = arith.addi %mul3A_121, %add3A_136 : i32
      %lt3A = arith.constant 40 : i32
      %lt3A_138 = arith.cmpi slt, %add3A_137, %lt3A : i32
      %convert_element_type3A = arith.extui %lt3A_138 : i1 to i32
      %cond3A = arith.constant 0 : i32
      %cond3A_139 = arith.cmpi ne, %convert_element_type3A, %cond3A : i32
      scf.if %cond3A_139 {
        %add3A_151 = arith.constant 2 : i32
        %add3A_152 = arith.addi %mul3A_121, %add3A_151 : i32
        %dma_start3A_153 = arith.constant 0 : i32
        %dma_start3A_154 = tpu.memref_slice %arg6[%add3A_152, %dma_start3A_153] : memref<40x128xi32, #tpu.memory_space<vmem>> -> memref<1x128xi32, #tpu.memory_space<vmem>>
        %dma_start3A_155 = tpu.memref_squeeze %dma_start3A_154 : memref<1x128xi32, #tpu.memory_space<vmem>> -> memref<128xi32, #tpu.memory_space<vmem>>
        %dma_start3A_156 = arith.constant 0 : i32
        %dma_start3A_157 = arith.constant 0 : i32
        %dma_start3A_158 = tpu.memref_slice %arg2[%dma_start3A_156, %dma_start3A_157] : memref<10240x128xf32, #tpu.memory_space<hbm>> -> memref<10240x128xf32, #tpu.memory_space<hbm>>
        tpu.enqueue_indirect_dma source(%dma_start3A_158 : memref<10240x128xf32, #tpu.memory_space<hbm>>) target(%arg8 : memref<128x128xf32, #tpu.memory_space<vmem>>) offsets(%dma_start3A_155 : memref<128xi32, #tpu.memory_space<vmem>>) semaphore(%arg11 : memref<!tpu.dma_semaphore, #tpu.memory_space<semaphore_mem>>)
      } else {
      }
      %add3A_140 = arith.constant 1 : i32
      %add3A_141 = arith.addi %mul3A_121, %add3A_140 : i32
      %dma_wait3A_142 = arith.constant 0 : i32
      %dma_wait3A_143 = tpu.memref_slice %arg6[%add3A_141, %dma_wait3A_142] : memref<40x128xi32, #tpu.memory_space<vmem>> -> memref<1x128xi32, #tpu.memory_space<vmem>>
      %dma_wait3A_144 = tpu.memref_squeeze %dma_wait3A_143 : memref<1x128xi32, #tpu.memory_space<vmem>> -> memref<128xi32, #tpu.memory_space<vmem>>
      %dma_wait3A_145 = arith.constant 0 : i32
      %dma_wait3A_146 = arith.constant 0 : i32
      %dma_wait3A_147 = tpu.memref_slice %arg2[%dma_wait3A_145, %dma_wait3A_146] : memref<10240x128xf32, #tpu.memory_space<hbm>> -> memref<10240x128xf32, #tpu.memory_space<hbm>>
      tpu.wait_indirect_dma semaphore(%arg12 : memref<!tpu.dma_semaphore, #tpu.memory_space<semaphore_mem>>) src(%dma_wait3A_147 : memref<10240x128xf32, #tpu.memory_space<hbm>>) dst(%arg9 : memref<128x128xf32, #tpu.memory_space<vmem>>)
      %add3A_148 = arith.constant 1 : i32
      %add3A_149 = arith.addi %mul3A_121, %add3A_148 : i32
      "tpu.region"() ({
        %run_scoped3A = tpu.sem_alloc : memref<!tpu.dma_semaphore, #tpu.memory_space<semaphore_mem>>
        %dma_start3A_151 = arith.constant 0 : i32
        %dma_start3A_152 = tpu.memref_slice %arg7[%add3A_149, %dma_start3A_151] : memref<40x128xi32, #tpu.memory_space<vmem>> -> memref<1x128xi32, #tpu.memory_space<vmem>>
        %dma_start3A_153 = tpu.memref_squeeze %dma_start3A_152 : memref<1x128xi32, #tpu.memory_space<vmem>> -> memref<128xi32, #tpu.memory_space<vmem>>
        %dma_start3A_154 = arith.constant 0 : i32
        %dma_start3A_155 = arith.constant 0 : i32
        %dma_start3A_156 = tpu.memref_slice %arg10[%dma_start3A_154, %dma_start3A_155] : memref<10240x128xf32, #tpu.memory_space<vmem_shared>> -> memref<10240x128xf32, #tpu.memory_space<vmem_shared>>
        tpu.enqueue_indirect_dma source(%arg9 : memref<128x128xf32, #tpu.memory_space<vmem>>) target(%dma_start3A_156 : memref<10240x128xf32, #tpu.memory_space<vmem_shared>>) offsets(%dma_start3A_153 : memref<128xi32, #tpu.memory_space<vmem>>) semaphore(%run_scoped3A : memref<!tpu.dma_semaphore, #tpu.memory_space<semaphore_mem>>) {add = true}
        %dma_wait3A_157 = arith.constant 0 : i32
        %dma_wait3A_158 = tpu.memref_slice %arg7[%add3A_149, %dma_wait3A_157] : memref<40x128xi32, #tpu.memory_space<vmem>> -> memref<1x128xi32, #tpu.memory_space<vmem>>
        %dma_wait3A_159 = tpu.memref_squeeze %dma_wait3A_158 : memref<1x128xi32, #tpu.memory_space<vmem>> -> memref<128xi32, #tpu.memory_space<vmem>>
        %dma_wait3A_160 = arith.constant 0 : i32
        %dma_wait3A_161 = arith.constant 0 : i32
        %dma_wait3A_162 = tpu.memref_slice %arg10[%dma_wait3A_160, %dma_wait3A_161] : memref<10240x128xf32, #tpu.memory_space<vmem_shared>> -> memref<10240x128xf32, #tpu.memory_space<vmem_shared>>
        tpu.wait_indirect_dma semaphore(%run_scoped3A : memref<!tpu.dma_semaphore, #tpu.memory_space<semaphore_mem>>) src(%arg9 : memref<128x128xf32, #tpu.memory_space<vmem>>) dst(%dma_wait3A_162 : memref<10240x128xf32, #tpu.memory_space<vmem_shared>>)
        tpu.yield
      }) : () -> ()
      %scan3A_150 = arith.constant 0 : i32
      scf.yield %scan3A_150 : i32
    }
    %scan3A_112 = arith.constant 20 : i32
    %barrier3A_113 = arith.constant 0 : index
    tpu.barrier barrier_id(%barrier3A_113)
    %mul3A_114 = arith.constant 640 : i32
    %mul3A_115 = arith.muli %arg1, %mul3A_114 : i32
    %mul3A_116 = arith.constant 640 : i32
    %mul3A_117 = arith.muli %arg1, %mul3A_116 : i32
    "tpu.region"() ({
      %run_scoped3A = tpu.sem_alloc : memref<!tpu.dma_semaphore, #tpu.memory_space<semaphore_mem>>
      %dma_start3A_118 = arith.constant 0 : i32
      %dma_start3A_119 = tpu.memref_slice %arg5[%arg0, %mul3A_117, %dma_start3A_118] : memref<2x10240x128xf32, #tpu.memory_space<hbm>> -> memref<1x640x128xf32, #tpu.memory_space<hbm>>
      %dma_start3A_120 = tpu.memref_squeeze %dma_start3A_119 : memref<1x640x128xf32, #tpu.memory_space<hbm>> -> memref<640x128xf32, #tpu.memory_space<hbm>>
      %dma_start3A_121 = arith.constant 0 : i32
      %dma_start3A_122 = tpu.memref_slice %arg10[%mul3A_115, %dma_start3A_121] : memref<10240x128xf32, #tpu.memory_space<vmem_shared>> -> memref<640x128xf32, #tpu.memory_space<vmem_shared>>
      tpu.enqueue_dma source(%dma_start3A_122 : memref<640x128xf32, #tpu.memory_space<vmem_shared>>) target(%dma_start3A_120 : memref<640x128xf32, #tpu.memory_space<hbm>>) target_semaphore(%run_scoped3A : memref<!tpu.dma_semaphore, #tpu.memory_space<semaphore_mem>>)
      %dma_wait3A_123 = arith.constant 0 : i32
      %dma_wait3A_124 = tpu.memref_slice %arg5[%arg0, %mul3A_117, %dma_wait3A_123] : memref<2x10240x128xf32, #tpu.memory_space<hbm>> -> memref<1x640x128xf32, #tpu.memory_space<hbm>>
      %dma_wait3A_125 = tpu.memref_squeeze %dma_wait3A_124 : memref<1x640x128xf32, #tpu.memory_space<hbm>> -> memref<640x128xf32, #tpu.memory_space<hbm>>
      %dma_wait3A_126 = arith.constant 0 : i32
      %dma_wait3A_127 = tpu.memref_slice %arg10[%mul3A_115, %dma_wait3A_126] : memref<10240x128xf32, #tpu.memory_space<vmem_shared>> -> memref<640x128xf32, #tpu.memory_space<vmem_shared>>
      tpu.wait_dma2 semaphore(%run_scoped3A : memref<!tpu.dma_semaphore, #tpu.memory_space<semaphore_mem>>) src(%dma_wait3A_127 : memref<640x128xf32, #tpu.memory_space<vmem_shared>>) dst(%dma_wait3A_125 : memref<640x128xf32, #tpu.memory_space<hbm>>)
      tpu.yield
    }) : () -> ()
    return
  }
}

module attributes {stable_mosaic.version = 14 : i64} {
  func.func @_mm_body(%arg0: i32, %arg1: memref<2560x128xf32, #tpu.memory_space<vmem>>, %arg2: memref<128x128xf32, #tpu.memory_space<vmem>>, %arg3: memref<1x128xf32, #tpu.memory_space<vmem>>, %arg4: memref<2560x128xf32, #tpu.memory_space<vmem>>) attributes {dimension_semantics = [#tpu.dimension_semantics<arbitrary>], iteration_bounds = array<i64: 4>, scalar_prefetch = 0 : i64, scratch_operands = 0 : i64, tpu.core_type = #tpu.core_type<tc>, window_params = [{transform_indices = @transform_0, window_bounds = array<i64: 2560, 128>}, {pipeline_mode = #tpu.pipeline_mode<synchronous>, transform_indices = @transform_1, window_bounds = array<i64: 128, 128>}, {pipeline_mode = #tpu.pipeline_mode<synchronous>, transform_indices = @transform_2, window_bounds = array<i64: 1, 128>}, {transform_indices = @transform_3, window_bounds = array<i64: 2560, 128>}]} {
    %get3A = arith.constant 0 : index
    %get3A_0 = arith.constant 0 : index
    %get3A_1 = vector.load %arg1[%get3A, %get3A_0] : memref<2560x128xf32, #tpu.memory_space<vmem>>, vector<2560x128xf32>
    %get3A_2 = arith.constant 0 : index
    %get3A_3 = arith.constant 0 : index
    %get3A_4 = vector.load %arg2[%get3A_2, %get3A_3] : memref<128x128xf32, #tpu.memory_space<vmem>>, vector<128x128xf32>
    %dot_general3A = arith.constant dense<0.000000e+00> : vector<2560x128xf32>
    %dot_general3A_5 = tpu.matmul %get3A_1, %get3A_4, %dot_general3A {dimension_numbers = #tpu.dot_dimension_numbers<[1], [1], [0], [0], [0, 0, 1, 0], [], []>, transpose_lhs_hint = false} : vector<2560x128xf32>, vector<128x128xf32>, vector<2560x128xf32> -> vector<2560x128xf32>
    %get3A_6 = arith.constant 0 : index
    %get3A_7 = arith.constant 0 : index
    %get3A_8 = vector.load %arg3[%get3A_6, %get3A_7] : memref<1x128xf32, #tpu.memory_space<vmem>>, vector<1x128xf32>
    %add3A = vector.broadcast %get3A_8 : vector<1x128xf32> to vector<2560x128xf32>
    %add3A_9 = arith.addf %dot_general3A_5, %add3A : vector<2560x128xf32>
    %swap3A = arith.constant 0 : index
    %swap3A_10 = arith.constant 0 : index
    %swap3A_11 = vector.load %arg4[%swap3A, %swap3A_10] : memref<2560x128xf32, #tpu.memory_space<vmem>>, vector<2560x128xf32>
    tpu.vector_store %arg4[%swap3A, %swap3A_10], %add3A_9 {strides = array<i32>} : memref<2560x128xf32, #tpu.memory_space<vmem>>, vector<2560x128xf32>,
    return
  }
  func.func @transform_0(%arg0: i32) -> (i32, i32) {
    %c0_i32 = arith.constant 0 : i32
    %c0_i32_0 = arith.constant 0 : i32
    return %arg0, %c0_i32 : i32, i32
  }
  func.func @transform_1(%arg0: i32) -> (i32, i32) {
    %c0_i32 = arith.constant 0 : i32
    %c0_i32_0 = arith.constant 0 : i32
    %c0_i32_1 = arith.constant 0 : i32
    return %c0_i32, %c0_i32_0 : i32, i32
  }
  func.func @transform_2(%arg0: i32) -> (i32, i32) {
    %c0_i32 = arith.constant 0 : i32
    %c0_i32_0 = arith.constant 0 : i32
    %c0_i32_1 = arith.constant 0 : i32
    return %c0_i32, %c0_i32_0 : i32, i32
  }
  func.func @transform_3(%arg0: i32) -> (i32, i32) {
    %c0_i32 = arith.constant 0 : i32
    %c0_i32_0 = arith.constant 0 : i32
    return %arg0, %c0_i32 : i32, i32
  }
}

module attributes {stable_mosaic.version = 14 : i64} {
  func.func @_final_body(%arg0: i32, %arg1: memref<2000x128xf32, #tpu.memory_space<vmem>>, %arg2: memref<1x2000x128xf32, #tpu.memory_space<vmem>>, %arg3: memref<1x2000x128xf32, #tpu.memory_space<vmem>>, %arg4: memref<1xf32, #tpu.memory_space<smem>>, %arg5: memref<2000x128xf32, #tpu.memory_space<vmem>>) attributes {dimension_semantics = [#tpu.dimension_semantics<arbitrary>], iteration_bounds = array<i64: 5>, scalar_prefetch = 0 : i64, scratch_operands = 0 : i64, tpu.core_type = #tpu.core_type<tc>, window_params = [{transform_indices = @transform_0, window_bounds = array<i64: 2000, 128>}, {transform_indices = @transform_1, window_bounds = array<i64: 1, 2000, 128>}, {transform_indices = @transform_2, window_bounds = array<i64: 1, 2000, 128>}, {transform_indices = @transform_3, window_bounds = array<i64: 1>}, {transform_indices = @transform_4, window_bounds = array<i64: 2000, 128>}]} {
    %get3A = arith.constant 0 : index
    %get3A_0 = arith.constant 0 : index
    %get3A_1 = vector.load %arg1[%get3A, %get3A_0] : memref<2000x128xf32, #tpu.memory_space<vmem>>, vector<2000x128xf32>
    %get3A_2 = arith.constant 0 : index
    %get3A_3 = arith.constant 0 : index
    %get3A_4 = arith.constant 0 : index
    %get3A_5 = vector.load %arg2[%get3A_2, %get3A_3, %get3A_4] : memref<1x2000x128xf32, #tpu.memory_space<vmem>>, vector<1x2000x128xf32>
    %get3A_6 = vector.shape_cast %get3A_5 : vector<1x2000x128xf32> to vector<2000x128xf32>
    %add3A = arith.addf %get3A_1, %get3A_6 : vector<2000x128xf32>
    %get3A_7 = arith.constant 0 : index
    %get3A_8 = arith.constant 0 : index
    %get3A_9 = arith.constant 0 : index
    %get3A_10 = vector.load %arg3[%get3A_7, %get3A_8, %get3A_9] : memref<1x2000x128xf32, #tpu.memory_space<vmem>>, vector<1x2000x128xf32>
    %get3A_11 = vector.shape_cast %get3A_10 : vector<1x2000x128xf32> to vector<2000x128xf32>
    %add3A_12 = arith.addf %add3A, %get3A_11 : vector<2000x128xf32>
    %get3A_13 = arith.constant 0 : index
    %get3A_14 = memref.load %arg4[%get3A_13] : memref<1xf32, #tpu.memory_space<smem>>
    %abs3A = math.absf %get3A_14 : f32
    %neg3A = arith.constant 0.000000e+00 : f32
    %neg3A_15 = arith.subf %neg3A, %abs3A : f32
    %mul3A = vector.broadcast %neg3A_15 : f32 to vector<2000x128xf32>
    %mul3A_16 = arith.mulf %add3A_12, %mul3A : vector<2000x128xf32>
    %reduce_max3A = arith.constant dense<0xFF800000> : vector<2000xf32>
    %reduce_max3A_17 = vector.multi_reduction <maximumf>, %mul3A_16, %reduce_max3A [1] : vector<2000x128xf32> to vector<2000xf32>
    %broadcast_in_dim3A = vector.shape_cast %reduce_max3A_17 : vector<2000xf32> to vector<2000x1xf32>
    %sub3A = vector.broadcast %broadcast_in_dim3A : vector<2000x1xf32> to vector<2000x128xf32>
    %sub3A_18 = arith.subf %mul3A_16, %sub3A : vector<2000x128xf32>
    %exp3A = math.exp %sub3A_18 : vector<2000x128xf32>
    %reduce_sum3A = arith.constant dense<0.000000e+00> : vector<2000xf32>
    %reduce_sum3A_19 = vector.multi_reduction <add>, %exp3A, %reduce_sum3A [1] : vector<2000x128xf32> to vector<2000xf32>
    %broadcast_in_dim3A_20 = vector.shape_cast %reduce_sum3A_19 : vector<2000xf32> to vector<2000x1xf32>
    %log3A = math.log %broadcast_in_dim3A_20 : vector<2000x1xf32>
    %add3A_21 = arith.addf %log3A, %broadcast_in_dim3A : vector<2000x1xf32>
    %sub3A_22 = vector.broadcast %add3A_21 : vector<2000x1xf32> to vector<2000x128xf32>
    %sub3A_23 = arith.subf %mul3A_16, %sub3A_22 : vector<2000x128xf32>
    %swap3A = arith.constant 0 : index
    %swap3A_24 = arith.constant 0 : index
    %swap3A_25 = vector.load %arg5[%swap3A, %swap3A_24] : memref<2000x128xf32, #tpu.memory_space<vmem>>, vector<2000x128xf32>
    tpu.vector_store %arg5[%swap3A, %swap3A_24], %sub3A_23 {strides = array<i32>} : memref<2000x128xf32, #tpu.memory_space<vmem>>, vector<2000x128xf32>,
    return
  }
  func.func @transform_0(%arg0: i32) -> (i32, i32) {
    %c0_i32 = arith.constant 0 : i32
    %c0_i32_0 = arith.constant 0 : i32
    return %arg0, %c0_i32 : i32, i32
  }
  func.func @transform_1(%arg0: i32) -> (i32, i32, i32) {
    %c0_i32 = arith.constant 0 : i32
    %c0_i32_0 = arith.constant 0 : i32
    %c0_i32_1 = arith.constant 0 : i32
    return %c0_i32, %arg0, %c0_i32_0 : i32, i32, i32
  }
  func.func @transform_2(%arg0: i32) -> (i32, i32, i32) {
    %c1_i32 = arith.constant 1 : i32
    %c0_i32 = arith.constant 0 : i32
    %c0_i32_0 = arith.constant 0 : i32
    return %c1_i32, %arg0, %c0_i32 : i32, i32, i32
  }
  func.func @transform_3(%arg0: i32) -> i32 {
    %c0_i32 = arith.constant 0 : i32
    %c0_i32_0 = arith.constant 0 : i32
    return %c0_i32 : i32
  }
  func.func @transform_4(%arg0: i32) -> (i32, i32) {
    %c0_i32 = arith.constant 0 : i32
    %c0_i32_0 = arith.constant 0 : i32
    return %arg0, %c0_i32 : i32, i32
  }
}

module attributes {stable_mosaic.version = 14 : i64} {
  func.func @_mid_body(%arg0: i32, %arg1: memref<2560x128xf32, #tpu.memory_space<vmem>>, %arg2: memref<1x2560x128xf32, #tpu.memory_space<vmem>>, %arg3: memref<1x2560x128xf32, #tpu.memory_space<vmem>>, %arg4: memref<1xf32, #tpu.memory_space<smem>>, %arg5: memref<128x128xf32, #tpu.memory_space<vmem>>, %arg6: memref<1x128xf32, #tpu.memory_space<vmem>>, %arg7: memref<2560x128xf32, #tpu.memory_space<vmem>>) attributes {dimension_semantics = [#tpu.dimension_semantics<arbitrary>], iteration_bounds = array<i64: 4>, scalar_prefetch = 0 : i64, scratch_operands = 0 : i64, tpu.core_type = #tpu.core_type<tc>, window_params = [{transform_indices = @transform_0, window_bounds = array<i64: 2560, 128>}, {transform_indices = @transform_1, window_bounds = array<i64: 1, 2560, 128>}, {transform_indices = @transform_2, window_bounds = array<i64: 1, 2560, 128>}, {transform_indices = @transform_3, window_bounds = array<i64: 1>}, {pipeline_mode = #tpu.pipeline_mode<synchronous>, transform_indices = @transform_4, window_bounds = array<i64: 128, 128>}, {pipeline_mode = #tpu.pipeline_mode<synchronous>, transform_indices = @transform_5, window_bounds = array<i64: 1, 128>}, {transform_indices = @transform_6, window_bounds = array<i64: 2560, 128>}]} {
    %get3A = arith.constant 0 : index
    %get3A_0 = arith.constant 0 : index
    %get3A_1 = vector.load %arg1[%get3A, %get3A_0] : memref<2560x128xf32, #tpu.memory_space<vmem>>, vector<2560x128xf32>
    %get3A_2 = arith.constant 0 : index
    %get3A_3 = arith.constant 0 : index
    %get3A_4 = arith.constant 0 : index
    %get3A_5 = vector.load %arg2[%get3A_2, %get3A_3, %get3A_4] : memref<1x2560x128xf32, #tpu.memory_space<vmem>>, vector<1x2560x128xf32>
    %get3A_6 = vector.shape_cast %get3A_5 : vector<1x2560x128xf32> to vector<2560x128xf32>
    %add3A = arith.addf %get3A_1, %get3A_6 : vector<2560x128xf32>
    %get3A_7 = arith.constant 0 : index
    %get3A_8 = arith.constant 0 : index
    %get3A_9 = arith.constant 0 : index
    %get3A_10 = vector.load %arg3[%get3A_7, %get3A_8, %get3A_9] : memref<1x2560x128xf32, #tpu.memory_space<vmem>>, vector<1x2560x128xf32>
    %get3A_11 = vector.shape_cast %get3A_10 : vector<1x2560x128xf32> to vector<2560x128xf32>
    %add3A_12 = arith.addf %add3A, %get3A_11 : vector<2560x128xf32>
    %get3A_13 = arith.constant 0 : index
    %get3A_14 = memref.load %arg4[%get3A_13] : memref<1xf32, #tpu.memory_space<smem>>
    %abs3A = math.absf %get3A_14 : f32
    %neg3A = arith.constant 0.000000e+00 : f32
    %neg3A_15 = arith.subf %neg3A, %abs3A : f32
    %mul3A = vector.broadcast %neg3A_15 : f32 to vector<2560x128xf32>
    %mul3A_16 = arith.mulf %add3A_12, %mul3A : vector<2560x128xf32>
    %max3A = arith.constant 0.000000e+00 : f32
    %max3A_17 = vector.broadcast %max3A : f32 to vector<2560x128xf32>
    %max3A_18 = arith.maximumf %mul3A_16, %max3A_17 : vector<2560x128xf32>
    %get3A_19 = arith.constant 0 : index
    %get3A_20 = arith.constant 0 : index
    %get3A_21 = vector.load %arg5[%get3A_19, %get3A_20] : memref<128x128xf32, #tpu.memory_space<vmem>>, vector<128x128xf32>
    %dot_general3A = arith.constant dense<0.000000e+00> : vector<2560x128xf32>
    %dot_general3A_22 = tpu.matmul %max3A_18, %get3A_21, %dot_general3A {dimension_numbers = #tpu.dot_dimension_numbers<[1], [1], [0], [0], [0, 0, 1, 0], [], []>, transpose_lhs_hint = false} : vector<2560x128xf32>, vector<128x128xf32>, vector<2560x128xf32> -> vector<2560x128xf32>
    %get3A_23 = arith.constant 0 : index
    %get3A_24 = arith.constant 0 : index
    %get3A_25 = vector.load %arg6[%get3A_23, %get3A_24] : memref<1x128xf32, #tpu.memory_space<vmem>>, vector<1x128xf32>
    %add3A_26 = vector.broadcast %get3A_25 : vector<1x128xf32> to vector<2560x128xf32>
    %add3A_27 = arith.addf %dot_general3A_22, %add3A_26 : vector<2560x128xf32>
    %swap3A = arith.constant 0 : index
    %swap3A_28 = arith.constant 0 : index
    %swap3A_29 = vector.load %arg7[%swap3A, %swap3A_28] : memref<2560x128xf32, #tpu.memory_space<vmem>>, vector<2560x128xf32>
    tpu.vector_store %arg7[%swap3A, %swap3A_28], %add3A_27 {strides = array<i32>} : memref<2560x128xf32, #tpu.memory_space<vmem>>, vector<2560x128xf32>,
    return
  }
  func.func @transform_0(%arg0: i32) -> (i32, i32) {
    %c0_i32 = arith.constant 0 : i32
    %c0_i32_0 = arith.constant 0 : i32
    return %arg0, %c0_i32 : i32, i32
  }
  func.func @transform_1(%arg0: i32) -> (i32, i32, i32) {
    %c0_i32 = arith.constant 0 : i32
    %c0_i32_0 = arith.constant 0 : i32
    %c0_i32_1 = arith.constant 0 : i32
    return %c0_i32, %arg0, %c0_i32_0 : i32, i32, i32
  }
  func.func @transform_2(%arg0: i32) -> (i32, i32, i32) {
    %c1_i32 = arith.constant 1 : i32
    %c0_i32 = arith.constant 0 : i32
    %c0_i32_0 = arith.constant 0 : i32
    return %c1_i32, %arg0, %c0_i32 : i32, i32, i32
  }
  func.func @transform_3(%arg0: i32) -> i32 {
    %c0_i32 = arith.constant 0 : i32
    %c0_i32_0 = arith.constant 0 : i32
    return %c0_i32 : i32
  }
  func.func @transform_4(%arg0: i32) -> (i32, i32) {
    %c0_i32 = arith.constant 0 : i32
    %c0_i32_0 = arith.constant 0 : i32
    %c0_i32_1 = arith.constant 0 : i32
    return %c0_i32, %c0_i32_0 : i32, i32
  }
  func.func @transform_5(%arg0: i32) -> (i32, i32) {
    %c0_i32 = arith.constant 0 : i32
    %c0_i32_0 = arith.constant 0 : i32
    %c0_i32_1 = arith.constant 0 : i32
    return %c0_i32, %c0_i32_0 : i32, i32
  }
  func.func @transform_6(%arg0: i32) -> (i32, i32) {
    %c0_i32 = arith.constant 0 : i32
    %c0_i32_0 = arith.constant 0 : i32
    return %arg0, %c0_i32 : i32, i32
  }
}

</mosaic_0001>

<sc_bundles>
// kernel: kernel.10.cloned.1.call-start
scs
__scs_entry_jumppad:
0x0: {  	(pc) =	sbr.rel $0x88, $3  }
0x1: {  	(tag) =	ssettag $0x0;
	lr =	simm.s32 $0x1  }
0x2: {  	[smem:$0x3F99] =	sst lr;
	_ =	strace $0xD0000000  }
0x3: {  	_ = 	snop  }
0x4: {  	_ = 	snop  }
0x5: {  	_ = 	snop  }
0x6: {  	_ = 	snop  }
0x7: {  	_ = 	snop  }
__scs_overlays_trampoline_lowered:
0x8: {  	[smem:$0x3FA8] =	sst s0  }
0x9: {  	[smem:$0x3FA9] =	sst s1  }
0xa: {  	[smem:$0x3FAA] =	sst s2  }
0xb: {  	[smem:$0x3FAB] =	sst s3  }
0xc: {  	[smem:$0x3FAC] =	sst s4  }
0xd: {  	[smem:$0x3FAD] =	sst s5  }
0xe: {  	[smem:$0x3FAE] =	sst s6  }
0xf: {  	[smem:$0x3FAF] =	sst s7  }
0x10: {  	[smem:$0x3FB0] =	sst s8  }
0x11: {  	[smem:$0x3FB1] =	sst s9;
	s0 =	simm.s32 @!p0 $0x0  }
0x12: {  	s1 =	sld [smem:$0x3F97];
	s0 =	simm.s32 @p0 $0x1  }
0x13: {  	[smem:$0x3FB2] =	sst s0;
	s0 =	simm.s32 @!p1 $0x0  }
0x14: {  	s2 =	sld [smem:$0x3F96];
	s0 =	simm.s32 @p1 $0x1  }
0x15: {  	[smem:$0x3FB3] =	sst s0;
	s0 =	simm.s32 @!p2 $0x0  }
0x16: {  	s3 =	sld [smem:$0x3FDB];
	s0 =	simm.s32 @p2 $0x1  }
0x17: {  	s4 =	simm.s32 $0x1BF5;
	[smem:$0x3FB5] =	sst s0  }
0x18: {  	s0 =	sld [smem:$0x3F98];
	_ =	swait.ge [sflag:s4], $0x0  }
0x19: {  	s7 =	sld [smem:$0x3F99]  }
0x1a: {  	s8 =	sadd.s32 $0xFFFFE003, lr  }
0x1b: {  	s9 =	sadd.s32 $0xFFFFFEF7, lr;
	s5 =	simm.s32 $0xFFFFFFFF;
	p2 =	slt.u32 s8, $0xFFFFF086  }
0x1c: {  	p1 =	slt.u32 s9, $0xF7A;
	s5 =	simm.s32 @!p2 $0x0  }
0x1d: {  	s5 =	simm.s32 @p1 $0x1;
	p0 =	seq.s32 s7, s2  }
0x1e: {  	s7 =	smul.u32 @!p0 $0xF7A, s2;
	p2 =	seq.s32 @!p0 s5, $0x0  }
0x1f: {  	s9 =	smul.u32 $0xF7A, s1;
	s8 =	simm.s32 @!p0 $0x1BF5;
	p2 =	por !p2, p0  }
0x20: {  	[sflag:s8] =	ssyncset.s32 @!p0 $0xFFFFF086;
	s6 =	sadd.s32 @!p0 s3, s7;
	s7 =	simm.s32 @!p0 $0x108  }
0x21: {  	s3 =	sadd.s32 s3, s9;
	s6 =	sadd.s32 @!p0 $0x88, s6;
	s7 =	simm.s32 @p2 $0x1082  }
0x22: {  	[simem:s7], [sflag:s8] =	dma.local @!p0 [hbm:s6], $0xF7A  }
0x23: {  	s9 =	sor.u32 $0xD0000000, s2;
	s6 =	simm.s32 $0x108;
	_ =	swait.ge @!p0 [sflag:s8], $0x0  }
0x24: {  	s3 =	sadd.s32 $0x88, s3;
	s6 =	simm.s32 @!p1 $0x1082;
	[sflag:s4] =	ssyncset.s32 $0xFFFFF086  }
0x25: {  	[simem:s6], [sflag:s4] =	dma.local [hbm:s3], $0xF7A  }
0x26: {  	[smem:$0x3F99] =	sst s1;
	(tag) =	ssettag s2;
	_ =	strace s9  }
0x27: {  	s1 =	sld [smem:$0x3FA9]  }
0x28: {  	s2 =	sld [smem:$0x3FAA]  }
0x29: {  	s4 =	sld [smem:$0x3FAC]  }
0x2a: {  	p0 =	seq.s32 s5, $0x0;
	s5 =	sld [smem:$0x3FAD]  }
0x2b: {  	s6 =	sld [smem:$0x3FAE]  }
0x2c: {  	s7 =	sld [smem:$0x3FAF]  }
0x2d: {  	s3 =	simm.s32 $0x108;
	s8 =	sld [smem:$0x3FB0]  }
0x2e: {  	s3 =	simm.s32 @!p0 $0x1082;
	s9 =	sld [smem:$0x3FB1]  }
0x2f: {  	lr =	sadd.s32 s0, s3;
	s0 =	sld [smem:$0x3FA8]  }
0x30: {  	s3 =	sld [smem:$0x3FAB]  }
0x31: {  	[smem:$0x3FB4] =	sst s10  }
0x32: {  	s10 =	sld [smem:$0x3FB2];
	_ =	sdelay $0x3  }
0x33: {  	p0 =	seq.s32 s10, $0x1;
	s10 =	sld [smem:$0x3FB4];
	_ =	sdelay $0x3  }
0x34: {  	[smem:$0x3FB4] =	sst s10  }
0x35: {  	s10 =	sld [smem:$0x3FB3];
	_ =	sdelay $0x3  }
0x36: {  	p1 =	seq.s32 s10, $0x1;
	s10 =	sld [smem:$0x3FB4];
	_ =	sdelay $0x3  }
0x37: {  	[smem:$0x3FB4] =	sst s10  }
0x38: {  	s10 =	sld [smem:$0x3FB5]  }
0x39: {  	_ = 	snop;
	(pc) =	sbr.ind lr, $3  }
0x3a: {  	_ = 	snop  }
0x3b: {  	_ = 	snop  }
0x3c: {  	p2 =	seq.s32 s10, $0x1;
	s10 =	sld [smem:$0x3FB4]  }
0x3d: {  	_ =	shalt  }
0x3e: {  	_ =	shalt  }
0x3f: {  	_ =	shalt  }
0x40: {  	_ =	shalt  }
0x41: {  	_ =	shalt  }
0x42: {  	_ =	shalt  }
0x43: {  	_ =	shalt  }
0x44: {  	_ =	shalt  }
0x45: {  	_ =	shalt  }
0x46: {  	_ =	shalt  }
0x47: {  	_ =	shalt  }
0x48: {  	_ =	shalt  }
0x49: {  	_ =	shalt  }
0x4a: {  	_ =	shalt  }
0x4b: {  	_ =	shalt  }
0x4c: {  	_ =	shalt  }
0x4d: {  	_ =	shalt  }
0x4e: {  	_ =	shalt  }
0x4f: {  	_ =	shalt  }
0x50: {  	_ =	shalt  }
0x51: {  	_ =	shalt  }
0x52: {  	_ =	shalt  }
0x53: {  	_ =	shalt  }
0x54: {  	_ =	shalt  }
0x55: {  	_ =	shalt  }
0x56: {  	_ =	shalt  }
0x57: {  	_ =	shalt  }
0x58: {  	_ =	shalt  }
0x59: {  	_ =	shalt  }
0x5a: {  	_ =	shalt  }
0x5b: {  	_ =	shalt  }
0x5c: {  	_ =	shalt  }
0x5d: {  	_ =	shalt  }
0x5e: {  	_ =	shalt  }
0x5f: {  	_ =	shalt  }
0x60: {  	_ =	shalt  }
0x61: {  	_ =	shalt  }
0x62: {  	_ =	shalt  }
0x63: {  	_ =	shalt  }
0x64: {  	_ =	shalt  }
0x65: {  	_ =	shalt  }
0x66: {  	_ =	shalt  }
0x67: {  	_ =	shalt  }
0x68: {  	_ =	shalt  }
0x69: {  	_ =	shalt  }
0x6a: {  	_ =	shalt  }
0x6b: {  	_ =	shalt  }
0x6c: {  	_ =	shalt  }
0x6d: {  	_ =	shalt  }
0x6e: {  	_ =	shalt  }
0x6f: {  	_ =	shalt  }
0x70: {  	_ =	shalt  }
0x71: {  	_ =	shalt  }
0x72: {  	_ =	shalt  }
0x73: {  	_ =	shalt  }
0x74: {  	_ =	shalt  }
0x75: {  	_ =	shalt  }
0x76: {  	_ =	shalt  }
0x77: {  	_ =	shalt  }
0x78: {  	_ =	shalt  }
0x79: {  	_ =	shalt  }
0x7a: {  	_ =	shalt  }
0x7b: {  	_ =	shalt  }
0x7c: {  	_ =	shalt  }
0x7d: {  	_ =	shalt  }
0x7e: {  	_ =	shalt  }
0x7f: {  	_ =	shalt  }
0x80: {  	_ =	shalt  }
0x81: {  	_ =	shalt  }
0x82: {  	_ =	shalt  }
0x83: {  	_ =	shalt  }
0x84: {  	_ =	shalt  }
0x85: {  	_ =	shalt  }
0x86: {  	_ =	shalt  }
0x87: {  	_ =	shalt  }
.Lfunc_end0:
.L_simem_size_0:
called_computation.1_lowered:
.L_overlay_start_0:
0x88: {  	s2 =	sld [smem:$0x3FD9]  }
0x89: {  	s3 =	sld [smem:$0x3FFE];
	_ =	sdelay $0x1  }
0x8a: {  	s1 =	srdreg.scid  }
0x8b: {  	s0 =	sand.u32 $0x1, s1  }
0x8c: {  	s17 =	sshll.u32 s0, $0xA;
	s2 =	sadd.s32 s3, s2  }
0x8d: {  	s2 =	sadd.s32 s2, s17  }
0x8e: {  	[smem:$0x3FC0] =	sst s2  }
0x8f: {  	_ = 	snop  }
0x90: {  	s2 =	sld [smem:$0x3FD0];
	(tm) =	ssettm $0x1  }
0x91: {  	s18 =	sld [smem:$0x3FFB];
	_ =	sdelay $0x3  }
0x92: {  	_ =	strace s18  }
0x93: {  	s3 =	sld [smem:$0x3FFC];
	_ =	sdelay $0x3  }
0x94: {  	_ =	strace s3  }
0x95: {  	s3 =	sld [smem:$0x3FFD];
	_ =	sdelay $0x3  }
0x96: {  	_ =	strace s3  }
0x97: {  	_ =	strace $0x8FFFFFFF  }
0x98: {  	s19 =	sld [smem:$0x3FDB];
	_ =	sdelay $0x1  }
0x99: {  	s4 =	simm.s32 $_scs_section_size  }
0x9a: {  	s5 =	simm.s32 $_size__tile_overlayer_lowered;
	s6 =	simm.s32 $_tile_overlayer_lowered  }
0x9b: {  	s22 =	simm.s32 $0x1BFF;
	s21 =	sshll.u32 s6, $0x1;
	s3 =	sadd.s32 s4, s19  }
0x9c: {  	s7 =	simm.s32 $0x0;
	s20 =	sshll.u32 s5, $0x1;
	s5 =	sadd.s32 s21, s3  }
0x9d: {  	[timem:s7], [sflag:s22] =	dma.local [hbm:s5], s20  }
0x9e: {  	_ =	swait.ge [sflag:s22], s20  }
0x9f: {  	s4 =	ssub.s32 $0x0, s20;
	[sflag:s22] =	ssyncset.done $0x0  }
0xa0: {  	[sflag:s22] =	ssyncadd.s32 s4;
	_ =	sdelay $0x1  }
0xa1: {  	s23 =	simm.s32 $0x1B8B  }
0xa2: {  	_ =	swait.ge [sflag:s23], $0x1  }
0xa3: {  	[sflag:s23] =	ssyncset.done $0x0  }
0xa4: {  	s25 =	simm.s32 $0x1B8E;
	s24 =	sld [smem:$0x3FFE];
	[sflag:s23] =	ssyncadd.s32 $0xFFFFFFFF  }
0xa5: {  	s26 =	simm.s32 $execute0_lowered;
	[smem:$0x3FD2] =	sst s25  }
0xa6: {  	s5 =	sshll.u32 s26, $0x1;
	_ =	strace $0x80000049;
	[dreg:$0x1] =	wrdreg $0xFFFFFFFF  }
0xa7: {  	s28 =	simm.s32 $_size_execute0_lowered;
	s3 =	sadd.s32 s3, s5;
	[dreg:$0x0] =	wrdreg $0x0  }
0xa8: {  	s5 =	sshll.u32 s28, $0x1;
	[dreg:$0x2] =	wrdreg s3  }
0xa9: {  	[dreg:$0x3] =	wrdreg s5  }
0xaa: {  	[dreg:$0x4] =	wrdreg $0xC0  }
0xab: {  	_ =	task [dreg:s7], $0x5FFFF  }
0xac: {  	[dreg:$0x1] =	wrdreg $0xFFFFFFFF  }
0xad: {  	[dreg:$0x0] =	wrdreg $0x60  }
0xae: {  	[dreg:$0x2] =	wrdreg s24  }
0xaf: {  	[dreg:$0x3] =	wrdreg s2  }
0xb0: {  	[dreg:$0x4] =	wrdreg $0xA8000  }
0xb1: {  	[dreg:$0x5] =	wrdreg $0x9  }
0xb2: {  	_ =	task.clear_ibuf [dreg:s7], $0x6FFFF;
	_ =	strace $0x90000049  }
0xb3: {  	s29 =	simm.s32 $0x9;
	_ =	strace $0x8000004B  }
0xb4: {  	_ =	swait.ge [sflag:s29], $0x1  }
0xb5: {  	[sflag:s29] =	ssyncadd.s32 $0xFFFFFFFF  }
0xb6: {  	_ =	strace $0x9000004B  }
0xb7: {  	_ =	sfence  }
0xb8: {  	s30 =	sld [smem:$0x0];
	_ =	sdelay $0x2  }
0xb9: {  	s31 =	sshll.u32 s1, $0xD;
	s1 =	sshrl.u32 s1, $0x2  }
0xba: {  	s3 =	sand.u32 $0x4000, s31;
	s1 =	sadd.s32 s1, s30  }
0xbb: {  	s0 =	sor.u32 s3, s0;
	s1 =	sshll.u32 s1, $0x11  }
0xbc: {  	s0 =	sor.u32 s1, s0  }
0xbd: {  	s0 =	sadd.s32 $0x8F2B, s0  }
0xbe: {  	[sflag:s0] =	ssyncadd.remote.s32 $0x1  }
0xbf: {  	_ =	sfence.sel $0xFFFF  }
0xc0: {  	[dreg:$0x0] =	wrdreg $0xFFFFFFFF;
	(pc) =	sbr.abs _section_cstart, $3  }
0xc1: {  	[dreg:$0x1] =	wrdreg $0xFFFFFFFF  }
0xc2: {  	_ =	task.clear_ibuf [dreg:s7], $0x2FFFF;
	_ =	strace $0x9FFFFFFF  }
0xc3: {  	(tm) =	ssettm $0x7FFFFFFF  }
tec
execute0_lowered:
.L_overlay_start_1:
0x0: {  	(tag) =	ssettag $0x1  }
0x1: {  	s6 =	rddreg [dreg:$0x0]  }
0x2: {  	s13 =	rddreg [dreg:$0x1]  }
0x3: {  	s1 =	rddreg [dreg:$0x2]  }
0x4: {  	s2 =	srdreg.scid;
	s0 =	rddreg [dreg:$0x3];
	s3 =	simm.s32 $0x0  }
0x5: {  	s17 =	simm.s32 $0x1;
	s18 =	simm.s32 $0x3;
	s19 =	simm.s32 $0x1400  }
0x6: {  	s20 =	simm.s32 $0x80;
	s21 =	simm.s32 $0x6800;
	s22 =	simm.s32 $0x2  }
0x7: {  	s23 =	simm.s32 $0x1380;
	s24 =	simm.s32 $0x2700;
	s5 =	sand.u32 $0x1, s2  }
0x8: {  	s25 =	simm.s32 $0x2780;
	s2 =	stileid.u32;
	s7 =	smul.u32 $0x140000, s5  }
0x9: {  	[smem:$0x7FF] =	sst s3;
	s4 =	sadd.s32 $0xBE00, s6;
	s8 =	smul.u32 $0x14000, s2  }
0xa: {  	s12 =	sadd.s32 $0x1E00, s6;
	s29 =	smul.u32 $0x50000, s2;
	s9 =	sshll.u32 s2, $0x1  }
0xb: {  	_ =	strace $0x8000004A;
	s10 =	ssub.s32 $0x2, s5;
	s9 =	sor.u32 s5, s9  }
0xc: {  	s31 =	sshrl.u32 s10, $0x1;
	s7 =	sadd.s32 s8, s7;
	s30 =	sshrl.u32 s29, $0x2  }
0xd: {  	s9 =	smul.u32 $0x2800, s9;
	s15 =	ssub.s32 s10, s31;
	s7 =	sshrl.u32 s7, $0x3  }
0xe: {  	s5 =	sadd.s32 s30, s1;
	s15 =	smax.u32 s15, $0x1;
	s14 =	sadd.s32 s7, s6  }
0xf: {  	s6 =	sadd.s32 $0x4000, s5;
	s7 =	sadd.s32 $0x8000, s5;
	s11 =	sshrl.u32 s9, $0x3  }
0x10: {  	s8 =	sadd.s32 $0xC000, s5;
	s9 =	sadd.s32 $0x10000, s5;
	s10 =	sadd.s32 s12, s11  }
0x11: {  	s16 =	sadd.s32 $0x280, s11;
	s11 =	sadd.s32 s13, s11;
	s14 =	sadd.s32 $0x33E00, s14  }
0x12: {  	v0 =	vimm.f32 $0.0e+00;
	s12 =	sadd.s32 s12, s16;
	s13 =	sadd.s32 s13, s16;
	s16 =	simm.s32 $0x2800  }
.LBB2_1:
0x13: {  	s26 =	simm.s32 $0x0;
	s28 =	simm.s32 $0x200  }
.LBB2_2:
0x14: {  	p0 =	sne.s32 s28, $0xFE00;
	[tilespmem:s26+$0x2870] =	vst v0  }
0x15: {  	[tilespmem:s26+$0x2800] =	vst v0  }
0x16: {  	[tilespmem:s26+$0x2810] =	vst v0  }
.Ltmp0:
0x17: {  	[tilespmem:s26+$0x2820] =	vst v0;
	(pc) =	sbr.rel @p0 .LBB2_2-.Ltmp0, $4  }
0x18: {  	[tilespmem:s26+$0x2830] =	vst v0  }
0x19: {  	[tilespmem:s26+$0x2840] =	vst v0  }
0x1a: {  	[tilespmem:s26+$0x2850] =	vst v0  }
0x1b: {  	[tilespmem:s26+$0x2860] =	vst v0;
	s26 =	sshra.s32 s28, $0x2;
	s28 =	sadd.s32 $0x200, s28  }
0x1c: {  	[tilespmem:s26+$0x2870] =	vst v0  }
0x1d: {  	[tilespmem:s26+$0x2800] =	vst v0  }
0x1e: {  	[tilespmem:s26+$0x2810] =	vst v0  }
0x1f: {  	[tilespmem:s26+$0x2820] =	vst v0  }
0x20: {  	[tilespmem:s26+$0x2830] =	vst v0  }
0x21: {  	[tilespmem:s26+$0x2840] =	vst v0  }
0x22: {  	[tilespmem:s26+$0x2850] =	vst v0  }
0x23: {  	[tilespmem:s26+$0x2860] =	vst v0  }
0x24: {  	[spmem:s5] =	stream.linear.scatter [tilespmem:s16], [sflag:$0x1], $0x4000, $0x38;
	[tilespmem:$0x1E800] =	vst v63  }
0x25: {  	_ = 	snop  }
0x26: {  	[spmem:s6] =	stream.linear.scatter [tilespmem:s16], [sflag:$0x1], $0x4000, $0x38;
	[tilespmem:$0x1E800] =	vst v63  }
0x27: {  	_ = 	snop  }
0x28: {  	[spmem:s7] =	stream.linear.scatter [tilespmem:s16], [sflag:$0x1], $0x4000, $0x38;
	[tilespmem:$0x1E800] =	vst v63  }
0x29: {  	_ = 	snop  }
0x2a: {  	[spmem:s8] =	stream.linear.scatter [tilespmem:s16], [sflag:$0x1], $0x4000, $0x38;
	[tilespmem:$0x1E800] =	vst v63  }
0x2b: {  	_ = 	snop  }
0x2c: {  	[spmem:s9] =	stream.linear.scatter [tilespmem:s16], [sflag:$0x1], $0x4000, $0x38;
	[tilespmem:$0x1E800] =	vst v63  }
0x2d: {  	_ =	swait.ge [sflag:s17], $0x4000  }
0x2e: {  	[sflag:s17] =	ssyncset.done $0x0  }
0x2f: {  	[sflag:s17] =	ssyncadd.s32 $0xFFFFC000  }
0x30: {  	_ =	swait.ge [sflag:s17], $0x4000  }
0x31: {  	[sflag:s17] =	ssyncset.done $0x0  }
0x32: {  	[sflag:s17] =	ssyncadd.s32 $0xFFFFC000  }
0x33: {  	_ =	swait.ge [sflag:s17], $0x4000  }
0x34: {  	[sflag:s17] =	ssyncset.done $0x0  }
0x35: {  	[sflag:s17] =	ssyncadd.s32 $0xFFFFC000  }
0x36: {  	_ =	swait.ge [sflag:s17], $0x4000  }
0x37: {  	[sflag:s17] =	ssyncset.done $0x0  }
0x38: {  	[sflag:s17] =	ssyncadd.s32 $0xFFFFC000  }
0x39: {  	_ =	swait.ge [sflag:s17], $0x4000  }
0x3a: {  	[sflag:s17] =	ssyncset.done $0x0  }
0x3b: {  	[sflag:s17] =	ssyncadd.s32 $0xFFFFC000  }
0x3c: {  	s30 =	simm.s32 $0x0;
	[bflag:$0x0] =	sbarrier.arrive $0xFFFF  }
0x3d: {  	[tilespmem:s30], [sflag:$0x3] =	stream.linear.gather [hbm4b:s10+s30], $0x1400, $0x38;
	[tilespmem:$0x1E800] =	vst v63  }
0x3e: {  	_ =	swait.ge [sflag:s18], $0x1400  }
0x3f: {  	[sflag:s18] =	ssyncset.done $0x0  }
0x40: {  	[sflag:s18] =	ssyncadd.s32 $0xFFFFEC00  }
0x41: {  	[tilespmem:s19], [sflag:$0x3] =	stream.linear.gather [hbm4b:s11+s30], $0x1400, $0x38;
	[tilespmem:$0x1E800] =	vst v63  }
0x42: {  	_ =	swait.ge [sflag:s18], $0x1400  }
0x43: {  	[sflag:s18] =	ssyncset.done $0x0  }
0x44: {  	[sflag:s18] =	ssyncadd.s32 $0xFFFFEC00  }
0x45: {  	[tilespmem:s16], [sflag:$0x1] =	stream.indirect.gather [hbm4b:s4+s20], $0x80, s30, s20, $0xb8;
	[tilespmem:$0x1E800] =	vst v63  }
0x46: {  	s31 =	simm.s32 $0x80  }
0x47: {  	[tilespmem:s21], [sflag:$0x2] =	stream.indirect.gather [hbm4b:s4+s20], $0x80, s31, s20, $0xb8;
	[tilespmem:$0x1E800] =	vst v63  }
0x48: {  	_ =	swait.ge [sflag:s17], $0x4000  }
0x49: {  	[sflag:s17] =	ssyncset.done $0x0  }
0x4a: {  	s29 =	simm.s32 $0x1400;
	[sflag:s17] =	ssyncadd.s32 $0xFFFFC000  }
0x4b: {  	[spmem:s1] =	stream.indirect.scatter.add.f32 [tilespmem:s16], [sflag:$0x3], $0x80, s29, s20, $0xb8;
	[tilespmem:$0x1E800] =	vst v63  }
0x4c: {  	_ =	swait.ge [sflag:s18], $0x4000  }
0x4d: {  	[sflag:s18] =	ssyncset.done $0x0  }
0x4e: {  	s30 =	simm.s32 $0x100;
	[sflag:s18] =	ssyncadd.s32 $0xFFFFC000  }
0x4f: {  	[tilespmem:s16], [sflag:$0x1] =	stream.indirect.gather [hbm4b:s4+s20], $0x80, s30, s20, $0xb8;
	[tilespmem:$0x1E800] =	vst v63  }
0x50: {  	_ =	swait.ge [sflag:s22], $0x4000  }
0x51: {  	[sflag:s22] =	ssyncset.done $0x0  }
0x52: {  	s31 =	simm.s32 $0x1480;
	[sflag:s22] =	ssyncadd.s32 $0xFFFFC000  }
0x53: {  	[spmem:s1] =	stream.indirect.scatter.add.f32 [tilespmem:s21], [sflag:$0x3], $0x80, s31, s20, $0xb8;
	[tilespmem:$0x1E800] =	vst v63  }
0x54: {  	_ =	swait.ge [sflag:s18], $0x4000  }
0x55: {  	s28 =	simm.s32 $0x800;
	s26 =	simm.s32 $0x100;
	[sflag:s18] =	ssyncset.done $0x0  }
.LBB2_4:
0x56: {  	s29 =	sadd.s32 $0x80, s26  }
0x57: {  	[sflag:s18] =	ssyncadd.s32 $0xFFFFC000;
	s30 =	smov.u32 s28;
	s31 =	sadd.s32 $0x400, s28  }
0x58: {  	[tilespmem:s21], [sflag:$0x2] =	stream.indirect.gather [hbm4b:s4+s20], $0x80, s29, s20, $0xb8;
	[tilespmem:$0x1E800] =	vst v63  }
0x59: {  	p0 =	sne.s32 s28, $0x4800;
	_ =	swait.ge [sflag:s17], $0x4000  }
0x5a: {  	[sflag:s17] =	ssyncset.done $0x0  }
0x5b: {  	s28 =	sadd.s32 $0x1400, s26;
	[sflag:s17] =	ssyncadd.s32 $0xFFFFC000  }
0x5c: {  	[spmem:s1] =	stream.indirect.scatter.add.f32 [tilespmem:s16], [sflag:$0x3], $0x80, s28, s20, $0xb8;
	[tilespmem:$0x1E800] =	vst v63  }
0x5d: {  	_ =	swait.ge [sflag:s18], $0x4000  }
0x5e: {  	[sflag:s18] =	ssyncset.done $0x0  }
0x5f: {  	s28 =	sadd.s32 $0x100, s26;
	[sflag:s18] =	ssyncadd.s32 $0xFFFFC000  }
0x60: {  	[tilespmem:s16], [sflag:$0x1] =	stream.indirect.gather [hbm4b:s4+s20], $0x80, s28, s20, $0xb8;
	[tilespmem:$0x1E800] =	vst v63  }
0x61: {  	_ =	swait.ge [sflag:s22], $0x4000  }
.Ltmp1:
0x62: {  	[sflag:s22] =	ssyncset.done $0x0;
	(pc) =	sbr.rel @p0 .LBB2_4-.Ltmp1, $4  }
0x63: {  	s26 =	sadd.s32 $0x1480, s26;
	[sflag:s22] =	ssyncadd.s32 $0xFFFFC000  }
0x64: {  	[spmem:s1] =	stream.indirect.scatter.add.f32 [tilespmem:s21], [sflag:$0x3], $0x80, s26, s20, $0xb8;
	[tilespmem:$0x1E800] =	vst v63  }
0x65: {  	_ =	swait.ge [sflag:s18], $0x4000  }
0x66: {  	s28 =	smov.u32 s31;
	s26 =	sshra.s32 s30, $0x2;
	[sflag:s18] =	ssyncset.done $0x0  }
0x67: {  	s28 =	sadd.s32 $0x80, s26;
	[sflag:s18] =	ssyncadd.s32 $0xFFFFC000  }
0x68: {  	[tilespmem:s21], [sflag:$0x2] =	stream.indirect.gather [hbm4b:s4+s20], $0x80, s28, s20, $0xb8;
	[tilespmem:$0x1E800] =	vst v63  }
0x69: {  	_ =	swait.ge [sflag:s17], $0x4000  }
0x6a: {  	[sflag:s17] =	ssyncset.done $0x0  }
0x6b: {  	s28 =	sadd.s32 $0x1400, s26;
	[sflag:s17] =	ssyncadd.s32 $0xFFFFC000  }
0x6c: {  	[spmem:s1] =	stream.indirect.scatter.add.f32 [tilespmem:s16], [sflag:$0x3], $0x80, s28, s20, $0xb8;
	[tilespmem:$0x1E800] =	vst v63  }
0x6d: {  	_ =	swait.ge [sflag:s18], $0x4000  }
0x6e: {  	[sflag:s18] =	ssyncset.done $0x0  }
0x6f: {  	s28 =	sadd.s32 $0x100, s26;
	[sflag:s18] =	ssyncadd.s32 $0xFFFFC000  }
0x70: {  	[tilespmem:s16], [sflag:$0x1] =	stream.indirect.gather [hbm4b:s4+s20], $0x80, s28, s20, $0xb8;
	[tilespmem:$0x1E800] =	vst v63  }
0x71: {  	_ =	swait.ge [sflag:s22], $0x4000  }
0x72: {  	[sflag:s22] =	ssyncset.done $0x0  }
0x73: {  	s29 =	sadd.s32 $0x1480, s26;
	[sflag:s22] =	ssyncadd.s32 $0xFFFFC000  }
0x74: {  	[spmem:s1] =	stream.indirect.scatter.add.f32 [tilespmem:s21], [sflag:$0x3], $0x80, s29, s20, $0xb8;
	[tilespmem:$0x1E800] =	vst v63  }
0x75: {  	_ =	swait.ge [sflag:s18], $0x4000  }
0x76: {  	[sflag:s18] =	ssyncset.done $0x0  }
0x77: {  	[sflag:s18] =	ssyncadd.s32 $0xFFFFC000  }
0x78: {  	[tilespmem:s21], [sflag:$0x2] =	stream.indirect.gather [hbm4b:s4+s20], $0x80, s23, s20, $0xb8;
	[tilespmem:$0x1E800] =	vst v63  }
0x79: {  	_ =	swait.ge [sflag:s17], $0x4000  }
0x7a: {  	[sflag:s17] =	ssyncset.done $0x0  }
0x7b: {  	[sflag:s17] =	ssyncadd.s32 $0xFFFFC000  }
0x7c: {  	[spmem:s1] =	stream.indirect.scatter.add.f32 [tilespmem:s16], [sflag:$0x3], $0x80, s24, s20, $0xb8;
	[tilespmem:$0x1E800] =	vst v63  }
0x7d: {  	_ =	swait.ge [sflag:s18], $0x4000  }
0x7e: {  	[sflag:s18] =	ssyncset.done $0x0  }
0x7f: {  	[sflag:s18] =	ssyncadd.s32 $0xFFFFC000  }
0x80: {  	_ =	swait.ge [sflag:s22], $0x4000  }
0x81: {  	[sflag:s22] =	ssyncset.done $0x0  }
0x82: {  	[sflag:s22] =	ssyncadd.s32 $0xFFFFC000  }
0x83: {  	[spmem:s1] =	stream.indirect.scatter.add.f32 [tilespmem:s21], [sflag:$0x3], $0x80, s25, s20, $0xb8;
	[tilespmem:$0x1E800] =	vst v63  }
0x84: {  	_ =	swait.ge [sflag:s18], $0x4000  }
0x85: {  	[sflag:s18] =	ssyncset.done $0x0  }
0x86: {  	s30 =	simm.s32 $0x0;
	[sflag:s18] =	ssyncadd.s32 $0xFFFFC000  }
0x87: {  	[tilespmem:s30], [sflag:$0x3] =	stream.linear.gather [hbm4b:s12+s30], $0x1400, $0x38;
	[tilespmem:$0x1E800] =	vst v63  }
0x88: {  	_ =	swait.ge [sflag:s18], $0x1400  }
0x89: {  	[sflag:s18] =	ssyncset.done $0x0  }
0x8a: {  	[sflag:s18] =	ssyncadd.s32 $0xFFFFEC00  }
0x8b: {  	[tilespmem:s19], [sflag:$0x3] =	stream.linear.gather [hbm4b:s13+s30], $0x1400, $0x38;
	[tilespmem:$0x1E800] =	vst v63  }
0x8c: {  	_ =	swait.ge [sflag:s18], $0x1400  }
0x8d: {  	[sflag:s18] =	ssyncset.done $0x0  }
0x8e: {  	[sflag:s18] =	ssyncadd.s32 $0xFFFFEC00  }
0x8f: {  	[tilespmem:s16], [sflag:$0x1] =	stream.indirect.gather [hbm4b:s4+s20], $0x80, s30, s20, $0xb8;
	[tilespmem:$0x1E800] =	vst v63  }
0x90: {  	s31 =	simm.s32 $0x80  }
0x91: {  	[tilespmem:s21], [sflag:$0x2] =	stream.indirect.gather [hbm4b:s4+s20], $0x80, s31, s20, $0xb8;
	[tilespmem:$0x1E800] =	vst v63  }
0x92: {  	_ =	swait.ge [sflag:s17], $0x4000  }
0x93: {  	[sflag:s17] =	ssyncset.done $0x0  }
0x94: {  	s29 =	simm.s32 $0x1400;
	[sflag:s17] =	ssyncadd.s32 $0xFFFFC000  }
0x95: {  	[spmem:s1] =	stream.indirect.scatter.add.f32 [tilespmem:s16], [sflag:$0x3], $0x80, s29, s20, $0xb8;
	[tilespmem:$0x1E800] =	vst v63  }
0x96: {  	_ =	swait.ge [sflag:s18], $0x4000  }
0x97: {  	[sflag:s18] =	ssyncset.done $0x0  }
0x98: {  	s30 =	simm.s32 $0x100;
	[sflag:s18] =	ssyncadd.s32 $0xFFFFC000  }
0x99: {  	[tilespmem:s16], [sflag:$0x1] =	stream.indirect.gather [hbm4b:s4+s20], $0x80, s30, s20, $0xb8;
	[tilespmem:$0x1E800] =	vst v63  }
0x9a: {  	_ =	swait.ge [sflag:s22], $0x4000  }
0x9b: {  	[sflag:s22] =	ssyncset.done $0x0  }
0x9c: {  	s31 =	simm.s32 $0x1480;
	[sflag:s22] =	ssyncadd.s32 $0xFFFFC000  }
0x9d: {  	[spmem:s1] =	stream.indirect.scatter.add.f32 [tilespmem:s21], [sflag:$0x3], $0x80, s31, s20, $0xb8;
	[tilespmem:$0x1E800] =	vst v63  }
0x9e: {  	_ =	swait.ge [sflag:s18], $0x4000  }
0x9f: {  	s26 =	simm.s32 $0x100;
	s28 =	simm.s32 $0x800;
	[sflag:s18] =	ssyncset.done $0x0  }
.LBB2_6:
0xa0: {  	s29 =	sadd.s32 $0x80, s26  }
0xa1: {  	[sflag:s18] =	ssyncadd.s32 $0xFFFFC000;
	s30 =	smov.u32 s28;
	s31 =	sadd.s32 $0x400, s28  }
0xa2: {  	[tilespmem:s21], [sflag:$0x2] =	stream.indirect.gather [hbm4b:s4+s20], $0x80, s29, s20, $0xb8;
	[tilespmem:$0x1E800] =	vst v63  }
0xa3: {  	p0 =	sne.s32 s28, $0x4800;
	_ =	swait.ge [sflag:s17], $0x4000  }
0xa4: {  	[sflag:s17] =	ssyncset.done $0x0  }
0xa5: {  	s28 =	sadd.s32 $0x1400, s26;
	[sflag:s17] =	ssyncadd.s32 $0xFFFFC000  }
0xa6: {  	[spmem:s1] =	stream.indirect.scatter.add.f32 [tilespmem:s16], [sflag:$0x3], $0x80, s28, s20, $0xb8;
	[tilespmem:$0x1E800] =	vst v63  }
0xa7: {  	_ =	swait.ge [sflag:s18], $0x4000  }
0xa8: {  	[sflag:s18] =	ssyncset.done $0x0  }
0xa9: {  	s28 =	sadd.s32 $0x100, s26;
	[sflag:s18] =	ssyncadd.s32 $0xFFFFC000  }
0xaa: {  	[tilespmem:s16], [sflag:$0x1] =	stream.indirect.gather [hbm4b:s4+s20], $0x80, s28, s20, $0xb8;
	[tilespmem:$0x1E800] =	vst v63  }
0xab: {  	_ =	swait.ge [sflag:s22], $0x4000  }
.Ltmp2:
0xac: {  	[sflag:s22] =	ssyncset.done $0x0;
	(pc) =	sbr.rel @p0 .LBB2_6-.Ltmp2, $4  }
0xad: {  	s26 =	sadd.s32 $0x1480, s26;
	[sflag:s22] =	ssyncadd.s32 $0xFFFFC000  }
0xae: {  	[spmem:s1] =	stream.indirect.scatter.add.f32 [tilespmem:s21], [sflag:$0x3], $0x80, s26, s20, $0xb8;
	[tilespmem:$0x1E800] =	vst v63  }
0xaf: {  	_ =	swait.ge [sflag:s18], $0x4000  }
0xb0: {  	s28 =	smov.u32 s31;
	s26 =	sshra.s32 s30, $0x2;
	[sflag:s18] =	ssyncset.done $0x0  }
0xb1: {  	s28 =	sadd.s32 $0x80, s26;
	[sflag:s18] =	ssyncadd.s32 $0xFFFFC000  }
0xb2: {  	[tilespmem:s21], [sflag:$0x2] =	stream.indirect.gather [hbm4b:s4+s20], $0x80, s28, s20, $0xb8;
	[tilespmem:$0x1E800] =	vst v63  }
0xb3: {  	_ =	swait.ge [sflag:s17], $0x4000  }
0xb4: {  	[sflag:s17] =	ssyncset.done $0x0  }
0xb5: {  	s30 =	sadd.s32 $0x1400, s26;
	[sflag:s17] =	ssyncadd.s32 $0xFFFFC000  }
0xb6: {  	[spmem:s1] =	stream.indirect.scatter.add.f32 [tilespmem:s16], [sflag:$0x3], $0x80, s30, s20, $0xb8;
	[tilespmem:$0x1E800] =	vst v63  }
0xb7: {  	_ =	swait.ge [sflag:s18], $0x4000  }
0xb8: {  	[sflag:s18] =	ssyncset.done $0x0  }
0xb9: {  	s31 =	sadd.s32 $0x100, s26;
	[sflag:s18] =	ssyncadd.s32 $0xFFFFC000  }
0xba: {  	[tilespmem:s16], [sflag:$0x1] =	stream.indirect.gather [hbm4b:s4+s20], $0x80, s31, s20, $0xb8;
	[tilespmem:$0x1E800] =	vst v63  }
0xbb: {  	_ =	swait.ge [sflag:s22], $0x4000  }
0xbc: {  	[sflag:s22] =	ssyncset.done $0x0  }
0xbd: {  	s29 =	sadd.s32 $0x1480, s26;
	[sflag:s22] =	ssyncadd.s32 $0xFFFFC000  }
0xbe: {  	[spmem:s1] =	stream.indirect.scatter.add.f32 [tilespmem:s21], [sflag:$0x3], $0x80, s29, s20, $0xb8;
	[tilespmem:$0x1E800] =	vst v63  }
0xbf: {  	_ =	swait.ge [sflag:s18], $0x4000  }
0xc0: {  	[sflag:s18] =	ssyncset.done $0x0  }
0xc1: {  	[sflag:s18] =	ssyncadd.s32 $0xFFFFC000  }
0xc2: {  	[tilespmem:s21], [sflag:$0x2] =	stream.indirect.gather [hbm4b:s4+s20], $0x80, s23, s20, $0xb8;
	[tilespmem:$0x1E800] =	vst v63  }
0xc3: {  	_ =	swait.ge [sflag:s17], $0x4000  }
0xc4: {  	[sflag:s17] =	ssyncset.done $0x0  }
0xc5: {  	[sflag:s17] =	ssyncadd.s32 $0xFFFFC000  }
0xc6: {  	[spmem:s1] =	stream.indirect.scatter.add.f32 [tilespmem:s16], [sflag:$0x3], $0x80, s24, s20, $0xb8;
	[tilespmem:$0x1E800] =	vst v63  }
0xc7: {  	_ =	swait.ge [sflag:s18], $0x4000  }
0xc8: {  	[sflag:s18] =	ssyncset.done $0x0  }
0xc9: {  	[sflag:s18] =	ssyncadd.s32 $0xFFFFC000  }
0xca: {  	_ =	swait.ge [sflag:s22], $0x4000  }
0xcb: {  	[sflag:s22] =	ssyncset.done $0x0  }
0xcc: {  	[sflag:s22] =	ssyncadd.s32 $0xFFFFC000  }
0xcd: {  	[spmem:s1] =	stream.indirect.scatter.add.f32 [tilespmem:s21], [sflag:$0x3], $0x80, s25, s20, $0xb8;
	[tilespmem:$0x1E800] =	vst v63  }
0xce: {  	_ =	swait.ge [sflag:s18], $0x4000  }
0xcf: {  	s3 =	sadd.s32 $0x1, s3;
	s30 =	sshll.u32 s2, $0x6;
	[sflag:s18] =	ssyncset.done $0x0  }
0xd0: {  	p0 =	sne.s32 s3, s15;
	s26 =	sor.u32 $0x1C03, s30;
	[sflag:s18] =	ssyncadd.s32 $0xFFFFC000  }
.Ltmp3:
0xd1: {  	s31 =	sshrl.u32 s5, $0x3;
	[bflag:$0x0] =	sbarrier.arrive $0xFFFF;
	(pc) =	sbr.rel @p0 .LBB2_1-.Ltmp3, $4  }
0xd2: {  	[hbm:s14], [sflag:s26] =	dma.local [spmem:s31], $0x2800  }
0xd3: {  	_ =	swait.ge [sflag:s18], $0x2800  }
0xd4: {  	[sflag:s18] =	ssyncset.done $0x0  }
0xd5: {  	[sflag:s18] =	ssyncadd.s32 $0xFFFFD800  }
0xd6: {  	_ =	sfence.sel $0x180000  }
0xd7: {  	[bflag:$0x0] =	sbarrier.arrive $0xFFFF  }
0xd8: {  	p0 =	sne.s32 s2, $0x0;
	_ =	strace $0x9000004A  }
0xd9: {  	s0 =	sadd.s32 @!p0 $0x100000, s0;
	[bflag:$0x2] =	sbarrier.arrive $0xFFFF  }
0xda: {  	[sflag:s0] =	ssyncadd.tile.s32 @!p0 $0x1;
	_ =	shalt  }
.Lfunc_end2:
_tile_overlayer_lowered:
.L_overlay_start_2:
0xdb: {  	(tag) =	ssettag $0x2  }
0xdc: {  	s0 =	rddreg [dreg:$0x0];
	s2 =	stileid.u32  }
0xdd: {  	s1 =	rddreg [dreg:$0x1];
	p0 =	sne.s32 s2, $0x0  }
0xde: {  	s3 =	rddreg [dreg:$0x2];
	[bflag:$0x3] =	sbarrier.arrive $0xFFFF;
	s2 =	simm.s32 @!p0 $0x1C03  }
0xdf: {  	[timem:s3], [sflag:s2] =	dma.local @!p0 [hbm:s0], s1  }
0xe0: {  	s0 =	simm.s32 @!p0 $0x3  }
0xe1: {  	_ =	swait.ge @!p0 [sflag:s0], s1  }
0xe2: {  	s1 =	ssub.s32 @!p0 $0x0, s1;
	[sflag:s0] =	ssyncset.done @!p0 $0x0  }
0xe3: {  	[sflag:s0] =	ssyncadd.s32 @!p0 s1  }
0xe4: {  	[bflag:$0x3] =	sbarrier.arrive $0xFFFF  }
0xe5: {  	_ =	shalt  }

// kernel: kernel.7.cloned.1.call-start
scs
__scs_entry_jumppad:
0x0: {  	(pc) =	sbr.rel $0x88, $3  }
0x1: {  	(tag) =	ssettag $0x0;
	lr =	simm.s32 $0x1  }
0x2: {  	[smem:$0x3F99] =	sst lr;
	_ =	strace $0xD0000000  }
0x3: {  	_ = 	snop  }
0x4: {  	_ = 	snop  }
0x5: {  	_ = 	snop  }
0x6: {  	_ = 	snop  }
0x7: {  	_ = 	snop  }
__scs_overlays_trampoline_lowered:
0x8: {  	[smem:$0x3FA8] =	sst s0  }
0x9: {  	[smem:$0x3FA9] =	sst s1  }
0xa: {  	[smem:$0x3FAA] =	sst s2  }
0xb: {  	[smem:$0x3FAB] =	sst s3  }
0xc: {  	[smem:$0x3FAC] =	sst s4  }
0xd: {  	[smem:$0x3FAD] =	sst s5  }
0xe: {  	[smem:$0x3FAE] =	sst s6  }
0xf: {  	[smem:$0x3FAF] =	sst s7  }
0x10: {  	[smem:$0x3FB0] =	sst s8  }
0x11: {  	[smem:$0x3FB1] =	sst s9;
	s0 =	simm.s32 @!p0 $0x0  }
0x12: {  	s1 =	sld [smem:$0x3F97];
	s0 =	simm.s32 @p0 $0x1  }
0x13: {  	[smem:$0x3FB2] =	sst s0;
	s0 =	simm.s32 @!p1 $0x0  }
0x14: {  	s2 =	sld [smem:$0x3F96];
	s0 =	simm.s32 @p1 $0x1  }
0x15: {  	[smem:$0x3FB3] =	sst s0;
	s0 =	simm.s32 @!p2 $0x0  }
0x16: {  	s3 =	sld [smem:$0x3FDB];
	s0 =	simm.s32 @p2 $0x1  }
0x17: {  	s4 =	simm.s32 $0x1BF5;
	[smem:$0x3FB5] =	sst s0  }
0x18: {  	s0 =	sld [smem:$0x3F98];
	_ =	swait.ge [sflag:s4], $0x0  }
0x19: {  	s7 =	sld [smem:$0x3F99]  }
0x1a: {  	s8 =	sadd.s32 $0xFFFFE003, lr  }
0x1b: {  	s9 =	sadd.s32 $0xFFFFFEF7, lr;
	s5 =	simm.s32 $0xFFFFFFFF;
	p2 =	slt.u32 s8, $0xFFFFF086  }
0x1c: {  	p1 =	slt.u32 s9, $0xF7A;
	s5 =	simm.s32 @!p2 $0x0  }
0x1d: {  	s5 =	simm.s32 @p1 $0x1;
	p0 =	seq.s32 s7, s2  }
0x1e: {  	s7 =	smul.u32 @!p0 $0xF7A, s2;
	p2 =	seq.s32 @!p0 s5, $0x0  }
0x1f: {  	s9 =	smul.u32 $0xF7A, s1;
	s8 =	simm.s32 @!p0 $0x1BF5;
	p2 =	por !p2, p0  }
0x20: {  	[sflag:s8] =	ssyncset.s32 @!p0 $0xFFFFF086;
	s6 =	sadd.s32 @!p0 s3, s7;
	s7 =	simm.s32 @!p0 $0x108  }
0x21: {  	s3 =	sadd.s32 s3, s9;
	s6 =	sadd.s32 @!p0 $0x88, s6;
	s7 =	simm.s32 @p2 $0x1082  }
0x22: {  	[simem:s7], [sflag:s8] =	dma.local @!p0 [hbm:s6], $0xF7A  }
0x23: {  	s9 =	sor.u32 $0xD0000000, s2;
	s6 =	simm.s32 $0x108;
	_ =	swait.ge @!p0 [sflag:s8], $0x0  }
0x24: {  	s3 =	sadd.s32 $0x88, s3;
	s6 =	simm.s32 @!p1 $0x1082;
	[sflag:s4] =	ssyncset.s32 $0xFFFFF086  }
0x25: {  	[simem:s6], [sflag:s4] =	dma.local [hbm:s3], $0xF7A  }
0x26: {  	[smem:$0x3F99] =	sst s1;
	(tag) =	ssettag s2;
	_ =	strace s9  }
0x27: {  	s1 =	sld [smem:$0x3FA9]  }
0x28: {  	s2 =	sld [smem:$0x3FAA]  }
0x29: {  	s4 =	sld [smem:$0x3FAC]  }
0x2a: {  	p0 =	seq.s32 s5, $0x0;
	s5 =	sld [smem:$0x3FAD]  }
0x2b: {  	s6 =	sld [smem:$0x3FAE]  }
0x2c: {  	s7 =	sld [smem:$0x3FAF]  }
0x2d: {  	s3 =	simm.s32 $0x108;
	s8 =	sld [smem:$0x3FB0]  }
0x2e: {  	s3 =	simm.s32 @!p0 $0x1082;
	s9 =	sld [smem:$0x3FB1]  }
0x2f: {  	lr =	sadd.s32 s0, s3;
	s0 =	sld [smem:$0x3FA8]  }
0x30: {  	s3 =	sld [smem:$0x3FAB]  }
0x31: {  	[smem:$0x3FB4] =	sst s10  }
0x32: {  	s10 =	sld [smem:$0x3FB2];
	_ =	sdelay $0x3  }
0x33: {  	p0 =	seq.s32 s10, $0x1;
	s10 =	sld [smem:$0x3FB4];
	_ =	sdelay $0x3  }
0x34: {  	[smem:$0x3FB4] =	sst s10  }
0x35: {  	s10 =	sld [smem:$0x3FB3];
	_ =	sdelay $0x3  }
0x36: {  	p1 =	seq.s32 s10, $0x1;
	s10 =	sld [smem:$0x3FB4];
	_ =	sdelay $0x3  }
0x37: {  	[smem:$0x3FB4] =	sst s10  }
0x38: {  	s10 =	sld [smem:$0x3FB5]  }
0x39: {  	_ = 	snop;
	(pc) =	sbr.ind lr, $3  }
0x3a: {  	_ = 	snop  }
0x3b: {  	_ = 	snop  }
0x3c: {  	p2 =	seq.s32 s10, $0x1;
	s10 =	sld [smem:$0x3FB4]  }
0x3d: {  	_ =	shalt  }
0x3e: {  	_ =	shalt  }
0x3f: {  	_ =	shalt  }
0x40: {  	_ =	shalt  }
0x41: {  	_ =	shalt  }
0x42: {  	_ =	shalt  }
0x43: {  	_ =	shalt  }
0x44: {  	_ =	shalt  }
0x45: {  	_ =	shalt  }
0x46: {  	_ =	shalt  }
0x47: {  	_ =	shalt  }
0x48: {  	_ =	shalt  }
0x49: {  	_ =	shalt  }
0x4a: {  	_ =	shalt  }
0x4b: {  	_ =	shalt  }
0x4c: {  	_ =	shalt  }
0x4d: {  	_ =	shalt  }
0x4e: {  	_ =	shalt  }
0x4f: {  	_ =	shalt  }
0x50: {  	_ =	shalt  }
0x51: {  	_ =	shalt  }
0x52: {  	_ =	shalt  }
0x53: {  	_ =	shalt  }
0x54: {  	_ =	shalt  }
0x55: {  	_ =	shalt  }
0x56: {  	_ =	shalt  }
0x57: {  	_ =	shalt  }
0x58: {  	_ =	shalt  }
0x59: {  	_ =	shalt  }
0x5a: {  	_ =	shalt  }
0x5b: {  	_ =	shalt  }
0x5c: {  	_ =	shalt  }
0x5d: {  	_ =	shalt  }
0x5e: {  	_ =	shalt  }
0x5f: {  	_ =	shalt  }
0x60: {  	_ =	shalt  }
0x61: {  	_ =	shalt  }
0x62: {  	_ =	shalt  }
0x63: {  	_ =	shalt  }
0x64: {  	_ =	shalt  }
0x65: {  	_ =	shalt  }
0x66: {  	_ =	shalt  }
0x67: {  	_ =	shalt  }
0x68: {  	_ =	shalt  }
0x69: {  	_ =	shalt  }
0x6a: {  	_ =	shalt  }
0x6b: {  	_ =	shalt  }
0x6c: {  	_ =	shalt  }
0x6d: {  	_ =	shalt  }
0x6e: {  	_ =	shalt  }
0x6f: {  	_ =	shalt  }
0x70: {  	_ =	shalt  }
0x71: {  	_ =	shalt  }
0x72: {  	_ =	shalt  }
0x73: {  	_ =	shalt  }
0x74: {  	_ =	shalt  }
0x75: {  	_ =	shalt  }
0x76: {  	_ =	shalt  }
0x77: {  	_ =	shalt  }
0x78: {  	_ =	shalt  }
0x79: {  	_ =	shalt  }
0x7a: {  	_ =	shalt  }
0x7b: {  	_ =	shalt  }
0x7c: {  	_ =	shalt  }
0x7d: {  	_ =	shalt  }
0x7e: {  	_ =	shalt  }
0x7f: {  	_ =	shalt  }
0x80: {  	_ =	shalt  }
0x81: {  	_ =	shalt  }
0x82: {  	_ =	shalt  }
0x83: {  	_ =	shalt  }
0x84: {  	_ =	shalt  }
0x85: {  	_ =	shalt  }
0x86: {  	_ =	shalt  }
0x87: {  	_ =	shalt  }
.Lfunc_end0:
.L_simem_size_0:
called_computation_lowered:
.L_overlay_start_0:
0x88: {  	s2 =	sld [smem:$0x3FD9]  }
0x89: {  	s3 =	sld [smem:$0x3FFE];
	_ =	sdelay $0x1  }
0x8a: {  	s1 =	srdreg.scid  }
0x8b: {  	s0 =	sand.u32 $0x1, s1  }
0x8c: {  	s17 =	sshll.u32 s0, $0xA;
	s2 =	sadd.s32 s3, s2  }
0x8d: {  	s2 =	sadd.s32 s2, s17  }
0x8e: {  	[smem:$0x3FC0] =	sst s2  }
0x8f: {  	_ = 	snop  }
0x90: {  	s2 =	sld [smem:$0x3FD0];
	(tm) =	ssettm $0x1  }
0x91: {  	s18 =	sld [smem:$0x3FFB];
	_ =	sdelay $0x3  }
0x92: {  	_ =	strace s18  }
0x93: {  	s3 =	sld [smem:$0x3FFC];
	_ =	sdelay $0x3  }
0x94: {  	_ =	strace s3  }
0x95: {  	s3 =	sld [smem:$0x3FFD];
	_ =	sdelay $0x3  }
0x96: {  	_ =	strace s3  }
0x97: {  	_ =	strace $0x8FFFFFFF  }
0x98: {  	s19 =	sld [smem:$0x3FDB];
	_ =	sdelay $0x1  }
0x99: {  	s4 =	simm.s32 $_scs_section_size  }
0x9a: {  	s5 =	simm.s32 $_size__tile_overlayer_lowered;
	s6 =	simm.s32 $_tile_overlayer_lowered  }
0x9b: {  	s22 =	simm.s32 $0x1BFF;
	s21 =	sshll.u32 s6, $0x1;
	s3 =	sadd.s32 s4, s19  }
0x9c: {  	s7 =	simm.s32 $0x0;
	s20 =	sshll.u32 s5, $0x1;
	s5 =	sadd.s32 s21, s3  }
0x9d: {  	[timem:s7], [sflag:s22] =	dma.local [hbm:s5], s20  }
0x9e: {  	_ =	swait.ge [sflag:s22], s20  }
0x9f: {  	s4 =	ssub.s32 $0x0, s20;
	[sflag:s22] =	ssyncset.done $0x0  }
0xa0: {  	[sflag:s22] =	ssyncadd.s32 s4;
	_ =	sdelay $0x1  }
0xa1: {  	s23 =	simm.s32 $0x1B8B  }
0xa2: {  	_ =	swait.ge [sflag:s23], $0x1  }
0xa3: {  	[sflag:s23] =	ssyncset.done $0x0  }
0xa4: {  	s25 =	simm.s32 $0x1B8E;
	s24 =	sld [smem:$0x3FFE];
	[sflag:s23] =	ssyncadd.s32 $0xFFFFFFFF  }
0xa5: {  	s26 =	simm.s32 $execute0_lowered;
	[smem:$0x3FD2] =	sst s25  }
0xa6: {  	s5 =	sshll.u32 s26, $0x1;
	_ =	strace $0x80000046;
	[dreg:$0x1] =	wrdreg $0xFFFFFFFF  }
0xa7: {  	s28 =	simm.s32 $_size_execute0_lowered;
	s3 =	sadd.s32 s3, s5;
	[dreg:$0x0] =	wrdreg $0x0  }
0xa8: {  	s5 =	sshll.u32 s28, $0x1;
	[dreg:$0x2] =	wrdreg s3  }
0xa9: {  	[dreg:$0x3] =	wrdreg s5  }
0xaa: {  	[dreg:$0x4] =	wrdreg $0xC0  }
0xab: {  	_ =	task [dreg:s7], $0x5FFFF  }
0xac: {  	[dreg:$0x1] =	wrdreg $0xFFFFFFFF  }
0xad: {  	[dreg:$0x0] =	wrdreg $0x60  }
0xae: {  	[dreg:$0x2] =	wrdreg s24  }
0xaf: {  	[dreg:$0x3] =	wrdreg s2  }
0xb0: {  	[dreg:$0x4] =	wrdreg $0xA8000  }
0xb1: {  	[dreg:$0x5] =	wrdreg $0x9  }
0xb2: {  	_ =	task.clear_ibuf [dreg:s7], $0x6FFFF;
	_ =	strace $0x90000046  }
0xb3: {  	s29 =	simm.s32 $0x9;
	_ =	strace $0x80000048  }
0xb4: {  	_ =	swait.ge [sflag:s29], $0x1  }
0xb5: {  	[sflag:s29] =	ssyncadd.s32 $0xFFFFFFFF  }
0xb6: {  	_ =	strace $0x90000048  }
0xb7: {  	_ =	sfence  }
0xb8: {  	s30 =	sld [smem:$0x0];
	_ =	sdelay $0x2  }
0xb9: {  	s31 =	sshll.u32 s1, $0xD;
	s1 =	sshrl.u32 s1, $0x2  }
0xba: {  	s3 =	sand.u32 $0x4000, s31;
	s1 =	sadd.s32 s1, s30  }
0xbb: {  	s0 =	sor.u32 s3, s0;
	s1 =	sshll.u32 s1, $0x11  }
0xbc: {  	s0 =	sor.u32 s1, s0  }
0xbd: {  	s0 =	sadd.s32 $0x8F2B, s0  }
0xbe: {  	[sflag:s0] =	ssyncadd.remote.s32 $0x1  }
0xbf: {  	_ =	sfence.sel $0xFFFF  }
0xc0: {  	[dreg:$0x0] =	wrdreg $0xFFFFFFFF;
	(pc) =	sbr.abs _section_cstart, $3  }
0xc1: {  	[dreg:$0x1] =	wrdreg $0xFFFFFFFF  }
0xc2: {  	_ =	task.clear_ibuf [dreg:s7], $0x2FFFF;
	_ =	strace $0x9FFFFFFF  }
0xc3: {  	(tm) =	ssettm $0x7FFFFFFF  }
tec
execute0_lowered:
.L_overlay_start_1:
0x0: {  	(tag) =	ssettag $0x1  }
0x1: {  	s6 =	rddreg [dreg:$0x0]  }
0x2: {  	s13 =	rddreg [dreg:$0x1]  }
0x3: {  	s1 =	rddreg [dreg:$0x2]  }
0x4: {  	s2 =	srdreg.scid;
	s0 =	rddreg [dreg:$0x3];
	s3 =	simm.s32 $0x0  }
0x5: {  	s17 =	simm.s32 $0x1;
	s18 =	simm.s32 $0x3;
	s19 =	simm.s32 $0x1400  }
0x6: {  	s20 =	simm.s32 $0x80;
	s21 =	simm.s32 $0x6800;
	s22 =	simm.s32 $0x2  }
0x7: {  	s23 =	simm.s32 $0x1380;
	s24 =	simm.s32 $0x2700;
	s5 =	sand.u32 $0x1, s2  }
0x8: {  	s25 =	simm.s32 $0x2780;
	s2 =	stileid.u32;
	s7 =	smul.u32 $0x140000, s5  }
0x9: {  	[smem:$0x7FF] =	sst s3;
	s4 =	sadd.s32 $0xBE00, s6;
	s8 =	smul.u32 $0x14000, s2  }
0xa: {  	s12 =	sadd.s32 $0x1E00, s6;
	s29 =	smul.u32 $0x50000, s2;
	s9 =	sshll.u32 s2, $0x1  }
0xb: {  	_ =	strace $0x80000047;
	s10 =	ssub.s32 $0x2, s5;
	s9 =	sor.u32 s5, s9  }
0xc: {  	s31 =	sshrl.u32 s10, $0x1;
	s7 =	sadd.s32 s8, s7;
	s30 =	sshrl.u32 s29, $0x2  }
0xd: {  	s9 =	smul.u32 $0x2800, s9;
	s15 =	ssub.s32 s10, s31;
	s7 =	sshrl.u32 s7, $0x3  }
0xe: {  	s5 =	sadd.s32 s30, s1;
	s15 =	smax.u32 s15, $0x1;
	s14 =	sadd.s32 s7, s6  }
0xf: {  	s6 =	sadd.s32 $0x4000, s5;
	s7 =	sadd.s32 $0x8000, s5;
	s11 =	sshrl.u32 s9, $0x3  }
0x10: {  	s8 =	sadd.s32 $0xC000, s5;
	s9 =	sadd.s32 $0x10000, s5;
	s10 =	sadd.s32 s12, s11  }
0x11: {  	s16 =	sadd.s32 $0x280, s11;
	s11 =	sadd.s32 s13, s11;
	s14 =	sadd.s32 $0x33E00, s14  }
0x12: {  	v0 =	vimm.f32 $0.0e+00;
	s12 =	sadd.s32 s12, s16;
	s13 =	sadd.s32 s13, s16;
	s16 =	simm.s32 $0x2800  }
.LBB2_1:
0x13: {  	s26 =	simm.s32 $0x0;
	s28 =	simm.s32 $0x200  }
.LBB2_2:
0x14: {  	p0 =	sne.s32 s28, $0xFE00;
	[tilespmem:s26+$0x2870] =	vst v0  }
0x15: {  	[tilespmem:s26+$0x2800] =	vst v0  }
0x16: {  	[tilespmem:s26+$0x2810] =	vst v0  }
.Ltmp0:
0x17: {  	[tilespmem:s26+$0x2820] =	vst v0;
	(pc) =	sbr.rel @p0 .LBB2_2-.Ltmp0, $4  }
0x18: {  	[tilespmem:s26+$0x2830] =	vst v0  }
0x19: {  	[tilespmem:s26+$0x2840] =	vst v0  }
0x1a: {  	[tilespmem:s26+$0x2850] =	vst v0  }
0x1b: {  	[tilespmem:s26+$0x2860] =	vst v0;
	s26 =	sshra.s32 s28, $0x2;
	s28 =	sadd.s32 $0x200, s28  }
0x1c: {  	[tilespmem:s26+$0x2870] =	vst v0  }
0x1d: {  	[tilespmem:s26+$0x2800] =	vst v0  }
0x1e: {  	[tilespmem:s26+$0x2810] =	vst v0  }
0x1f: {  	[tilespmem:s26+$0x2820] =	vst v0  }
0x20: {  	[tilespmem:s26+$0x2830] =	vst v0  }
0x21: {  	[tilespmem:s26+$0x2840] =	vst v0  }
0x22: {  	[tilespmem:s26+$0x2850] =	vst v0  }
0x23: {  	[tilespmem:s26+$0x2860] =	vst v0  }
0x24: {  	[spmem:s5] =	stream.linear.scatter [tilespmem:s16], [sflag:$0x1], $0x4000, $0x38;
	[tilespmem:$0x1E800] =	vst v63  }
0x25: {  	_ = 	snop  }
0x26: {  	[spmem:s6] =	stream.linear.scatter [tilespmem:s16], [sflag:$0x1], $0x4000, $0x38;
	[tilespmem:$0x1E800] =	vst v63  }
0x27: {  	_ = 	snop  }
0x28: {  	[spmem:s7] =	stream.linear.scatter [tilespmem:s16], [sflag:$0x1], $0x4000, $0x38;
	[tilespmem:$0x1E800] =	vst v63  }
0x29: {  	_ = 	snop  }
0x2a: {  	[spmem:s8] =	stream.linear.scatter [tilespmem:s16], [sflag:$0x1], $0x4000, $0x38;
	[tilespmem:$0x1E800] =	vst v63  }
0x2b: {  	_ = 	snop  }
0x2c: {  	[spmem:s9] =	stream.linear.scatter [tilespmem:s16], [sflag:$0x1], $0x4000, $0x38;
	[tilespmem:$0x1E800] =	vst v63  }
0x2d: {  	_ =	swait.ge [sflag:s17], $0x4000  }
0x2e: {  	[sflag:s17] =	ssyncset.done $0x0  }
0x2f: {  	[sflag:s17] =	ssyncadd.s32 $0xFFFFC000  }
0x30: {  	_ =	swait.ge [sflag:s17], $0x4000  }
0x31: {  	[sflag:s17] =	ssyncset.done $0x0  }
0x32: {  	[sflag:s17] =	ssyncadd.s32 $0xFFFFC000  }
0x33: {  	_ =	swait.ge [sflag:s17], $0x4000  }
0x34: {  	[sflag:s17] =	ssyncset.done $0x0  }
0x35: {  	[sflag:s17] =	ssyncadd.s32 $0xFFFFC000  }
0x36: {  	_ =	swait.ge [sflag:s17], $0x4000  }
0x37: {  	[sflag:s17] =	ssyncset.done $0x0  }
0x38: {  	[sflag:s17] =	ssyncadd.s32 $0xFFFFC000  }
0x39: {  	_ =	swait.ge [sflag:s17], $0x4000  }
0x3a: {  	[sflag:s17] =	ssyncset.done $0x0  }
0x3b: {  	[sflag:s17] =	ssyncadd.s32 $0xFFFFC000  }
0x3c: {  	s30 =	simm.s32 $0x0;
	[bflag:$0x0] =	sbarrier.arrive $0xFFFF  }
0x3d: {  	[tilespmem:s30], [sflag:$0x3] =	stream.linear.gather [hbm4b:s10+s30], $0x1400, $0x38;
	[tilespmem:$0x1E800] =	vst v63  }
0x3e: {  	_ =	swait.ge [sflag:s18], $0x1400  }
0x3f: {  	[sflag:s18] =	ssyncset.done $0x0  }
0x40: {  	[sflag:s18] =	ssyncadd.s32 $0xFFFFEC00  }
0x41: {  	[tilespmem:s19], [sflag:$0x3] =	stream.linear.gather [hbm4b:s11+s30], $0x1400, $0x38;
	[tilespmem:$0x1E800] =	vst v63  }
0x42: {  	_ =	swait.ge [sflag:s18], $0x1400  }
0x43: {  	[sflag:s18] =	ssyncset.done $0x0  }
0x44: {  	[sflag:s18] =	ssyncadd.s32 $0xFFFFEC00  }
0x45: {  	[tilespmem:s16], [sflag:$0x1] =	stream.indirect.gather [hbm4b:s4+s20], $0x80, s30, s20, $0xb8;
	[tilespmem:$0x1E800] =	vst v63  }
0x46: {  	s31 =	simm.s32 $0x80  }
0x47: {  	[tilespmem:s21], [sflag:$0x2] =	stream.indirect.gather [hbm4b:s4+s20], $0x80, s31, s20, $0xb8;
	[tilespmem:$0x1E800] =	vst v63  }
0x48: {  	_ =	swait.ge [sflag:s17], $0x4000  }
0x49: {  	[sflag:s17] =	ssyncset.done $0x0  }
0x4a: {  	s29 =	simm.s32 $0x1400;
	[sflag:s17] =	ssyncadd.s32 $0xFFFFC000  }
0x4b: {  	[spmem:s1] =	stream.indirect.scatter.add.f32 [tilespmem:s16], [sflag:$0x3], $0x80, s29, s20, $0xb8;
	[tilespmem:$0x1E800] =	vst v63  }
0x4c: {  	_ =	swait.ge [sflag:s18], $0x4000  }
0x4d: {  	[sflag:s18] =	ssyncset.done $0x0  }
0x4e: {  	s30 =	simm.s32 $0x100;
	[sflag:s18] =	ssyncadd.s32 $0xFFFFC000  }
0x4f: {  	[tilespmem:s16], [sflag:$0x1] =	stream.indirect.gather [hbm4b:s4+s20], $0x80, s30, s20, $0xb8;
	[tilespmem:$0x1E800] =	vst v63  }
0x50: {  	_ =	swait.ge [sflag:s22], $0x4000  }
0x51: {  	[sflag:s22] =	ssyncset.done $0x0  }
0x52: {  	s31 =	simm.s32 $0x1480;
	[sflag:s22] =	ssyncadd.s32 $0xFFFFC000  }
0x53: {  	[spmem:s1] =	stream.indirect.scatter.add.f32 [tilespmem:s21], [sflag:$0x3], $0x80, s31, s20, $0xb8;
	[tilespmem:$0x1E800] =	vst v63  }
0x54: {  	_ =	swait.ge [sflag:s18], $0x4000  }
0x55: {  	s28 =	simm.s32 $0x800;
	s26 =	simm.s32 $0x100;
	[sflag:s18] =	ssyncset.done $0x0  }
.LBB2_4:
0x56: {  	s29 =	sadd.s32 $0x80, s26  }
0x57: {  	[sflag:s18] =	ssyncadd.s32 $0xFFFFC000;
	s30 =	smov.u32 s28;
	s31 =	sadd.s32 $0x400, s28  }
0x58: {  	[tilespmem:s21], [sflag:$0x2] =	stream.indirect.gather [hbm4b:s4+s20], $0x80, s29, s20, $0xb8;
	[tilespmem:$0x1E800] =	vst v63  }
0x59: {  	p0 =	sne.s32 s28, $0x4800;
	_ =	swait.ge [sflag:s17], $0x4000  }
0x5a: {  	[sflag:s17] =	ssyncset.done $0x0  }
0x5b: {  	s28 =	sadd.s32 $0x1400, s26;
	[sflag:s17] =	ssyncadd.s32 $0xFFFFC000  }
0x5c: {  	[spmem:s1] =	stream.indirect.scatter.add.f32 [tilespmem:s16], [sflag:$0x3], $0x80, s28, s20, $0xb8;
	[tilespmem:$0x1E800] =	vst v63  }
0x5d: {  	_ =	swait.ge [sflag:s18], $0x4000  }
0x5e: {  	[sflag:s18] =	ssyncset.done $0x0  }
0x5f: {  	s28 =	sadd.s32 $0x100, s26;
	[sflag:s18] =	ssyncadd.s32 $0xFFFFC000  }
0x60: {  	[tilespmem:s16], [sflag:$0x1] =	stream.indirect.gather [hbm4b:s4+s20], $0x80, s28, s20, $0xb8;
	[tilespmem:$0x1E800] =	vst v63  }
0x61: {  	_ =	swait.ge [sflag:s22], $0x4000  }
.Ltmp1:
0x62: {  	[sflag:s22] =	ssyncset.done $0x0;
	(pc) =	sbr.rel @p0 .LBB2_4-.Ltmp1, $4  }
0x63: {  	s26 =	sadd.s32 $0x1480, s26;
	[sflag:s22] =	ssyncadd.s32 $0xFFFFC000  }
0x64: {  	[spmem:s1] =	stream.indirect.scatter.add.f32 [tilespmem:s21], [sflag:$0x3], $0x80, s26, s20, $0xb8;
	[tilespmem:$0x1E800] =	vst v63  }
0x65: {  	_ =	swait.ge [sflag:s18], $0x4000  }
0x66: {  	s28 =	smov.u32 s31;
	s26 =	sshra.s32 s30, $0x2;
	[sflag:s18] =	ssyncset.done $0x0  }
0x67: {  	s28 =	sadd.s32 $0x80, s26;
	[sflag:s18] =	ssyncadd.s32 $0xFFFFC000  }
0x68: {  	[tilespmem:s21], [sflag:$0x2] =	stream.indirect.gather [hbm4b:s4+s20], $0x80, s28, s20, $0xb8;
	[tilespmem:$0x1E800] =	vst v63  }
0x69: {  	_ =	swait.ge [sflag:s17], $0x4000  }
0x6a: {  	[sflag:s17] =	ssyncset.done $0x0  }
0x6b: {  	s28 =	sadd.s32 $0x1400, s26;
	[sflag:s17] =	ssyncadd.s32 $0xFFFFC000  }
0x6c: {  	[spmem:s1] =	stream.indirect.scatter.add.f32 [tilespmem:s16], [sflag:$0x3], $0x80, s28, s20, $0xb8;
	[tilespmem:$0x1E800] =	vst v63  }
0x6d: {  	_ =	swait.ge [sflag:s18], $0x4000  }
0x6e: {  	[sflag:s18] =	ssyncset.done $0x0  }
0x6f: {  	s28 =	sadd.s32 $0x100, s26;
	[sflag:s18] =	ssyncadd.s32 $0xFFFFC000  }
0x70: {  	[tilespmem:s16], [sflag:$0x1] =	stream.indirect.gather [hbm4b:s4+s20], $0x80, s28, s20, $0xb8;
	[tilespmem:$0x1E800] =	vst v63  }
0x71: {  	_ =	swait.ge [sflag:s22], $0x4000  }
0x72: {  	[sflag:s22] =	ssyncset.done $0x0  }
0x73: {  	s29 =	sadd.s32 $0x1480, s26;
	[sflag:s22] =	ssyncadd.s32 $0xFFFFC000  }
0x74: {  	[spmem:s1] =	stream.indirect.scatter.add.f32 [tilespmem:s21], [sflag:$0x3], $0x80, s29, s20, $0xb8;
	[tilespmem:$0x1E800] =	vst v63  }
0x75: {  	_ =	swait.ge [sflag:s18], $0x4000  }
0x76: {  	[sflag:s18] =	ssyncset.done $0x0  }
0x77: {  	[sflag:s18] =	ssyncadd.s32 $0xFFFFC000  }
0x78: {  	[tilespmem:s21], [sflag:$0x2] =	stream.indirect.gather [hbm4b:s4+s20], $0x80, s23, s20, $0xb8;
	[tilespmem:$0x1E800] =	vst v63  }
0x79: {  	_ =	swait.ge [sflag:s17], $0x4000  }
0x7a: {  	[sflag:s17] =	ssyncset.done $0x0  }
0x7b: {  	[sflag:s17] =	ssyncadd.s32 $0xFFFFC000  }
0x7c: {  	[spmem:s1] =	stream.indirect.scatter.add.f32 [tilespmem:s16], [sflag:$0x3], $0x80, s24, s20, $0xb8;
	[tilespmem:$0x1E800] =	vst v63  }
0x7d: {  	_ =	swait.ge [sflag:s18], $0x4000  }
0x7e: {  	[sflag:s18] =	ssyncset.done $0x0  }
0x7f: {  	[sflag:s18] =	ssyncadd.s32 $0xFFFFC000  }
0x80: {  	_ =	swait.ge [sflag:s22], $0x4000  }
0x81: {  	[sflag:s22] =	ssyncset.done $0x0  }
0x82: {  	[sflag:s22] =	ssyncadd.s32 $0xFFFFC000  }
0x83: {  	[spmem:s1] =	stream.indirect.scatter.add.f32 [tilespmem:s21], [sflag:$0x3], $0x80, s25, s20, $0xb8;
	[tilespmem:$0x1E800] =	vst v63  }
0x84: {  	_ =	swait.ge [sflag:s18], $0x4000  }
0x85: {  	[sflag:s18] =	ssyncset.done $0x0  }
0x86: {  	s30 =	simm.s32 $0x0;
	[sflag:s18] =	ssyncadd.s32 $0xFFFFC000  }
0x87: {  	[tilespmem:s30], [sflag:$0x3] =	stream.linear.gather [hbm4b:s12+s30], $0x1400, $0x38;
	[tilespmem:$0x1E800] =	vst v63  }
0x88: {  	_ =	swait.ge [sflag:s18], $0x1400  }
0x89: {  	[sflag:s18] =	ssyncset.done $0x0  }
0x8a: {  	[sflag:s18] =	ssyncadd.s32 $0xFFFFEC00  }
0x8b: {  	[tilespmem:s19], [sflag:$0x3] =	stream.linear.gather [hbm4b:s13+s30], $0x1400, $0x38;
	[tilespmem:$0x1E800] =	vst v63  }
0x8c: {  	_ =	swait.ge [sflag:s18], $0x1400  }
0x8d: {  	[sflag:s18] =	ssyncset.done $0x0  }
0x8e: {  	[sflag:s18] =	ssyncadd.s32 $0xFFFFEC00  }
0x8f: {  	[tilespmem:s16], [sflag:$0x1] =	stream.indirect.gather [hbm4b:s4+s20], $0x80, s30, s20, $0xb8;
	[tilespmem:$0x1E800] =	vst v63  }
0x90: {  	s31 =	simm.s32 $0x80  }
0x91: {  	[tilespmem:s21], [sflag:$0x2] =	stream.indirect.gather [hbm4b:s4+s20], $0x80, s31, s20, $0xb8;
	[tilespmem:$0x1E800] =	vst v63  }
0x92: {  	_ =	swait.ge [sflag:s17], $0x4000  }
0x93: {  	[sflag:s17] =	ssyncset.done $0x0  }
0x94: {  	s29 =	simm.s32 $0x1400;
	[sflag:s17] =	ssyncadd.s32 $0xFFFFC000  }
0x95: {  	[spmem:s1] =	stream.indirect.scatter.add.f32 [tilespmem:s16], [sflag:$0x3], $0x80, s29, s20, $0xb8;
	[tilespmem:$0x1E800] =	vst v63  }
0x96: {  	_ =	swait.ge [sflag:s18], $0x4000  }
0x97: {  	[sflag:s18] =	ssyncset.done $0x0  }
0x98: {  	s30 =	simm.s32 $0x100;
	[sflag:s18] =	ssyncadd.s32 $0xFFFFC000  }
0x99: {  	[tilespmem:s16], [sflag:$0x1] =	stream.indirect.gather [hbm4b:s4+s20], $0x80, s30, s20, $0xb8;
	[tilespmem:$0x1E800] =	vst v63  }
0x9a: {  	_ =	swait.ge [sflag:s22], $0x4000  }
0x9b: {  	[sflag:s22] =	ssyncset.done $0x0  }
0x9c: {  	s31 =	simm.s32 $0x1480;
	[sflag:s22] =	ssyncadd.s32 $0xFFFFC000  }
0x9d: {  	[spmem:s1] =	stream.indirect.scatter.add.f32 [tilespmem:s21], [sflag:$0x3], $0x80, s31, s20, $0xb8;
	[tilespmem:$0x1E800] =	vst v63  }
0x9e: {  	_ =	swait.ge [sflag:s18], $0x4000  }
0x9f: {  	s26 =	simm.s32 $0x100;
	s28 =	simm.s32 $0x800;
	[sflag:s18] =	ssyncset.done $0x0  }
.LBB2_6:
0xa0: {  	s29 =	sadd.s32 $0x80, s26  }
0xa1: {  	[sflag:s18] =	ssyncadd.s32 $0xFFFFC000;
	s30 =	smov.u32 s28;
	s31 =	sadd.s32 $0x400, s28  }
0xa2: {  	[tilespmem:s21], [sflag:$0x2] =	stream.indirect.gather [hbm4b:s4+s20], $0x80, s29, s20, $0xb8;
	[tilespmem:$0x1E800] =	vst v63  }
0xa3: {  	p0 =	sne.s32 s28, $0x4800;
	_ =	swait.ge [sflag:s17], $0x4000  }
0xa4: {  	[sflag:s17] =	ssyncset.done $0x0  }
0xa5: {  	s28 =	sadd.s32 $0x1400, s26;
	[sflag:s17] =	ssyncadd.s32 $0xFFFFC000  }
0xa6: {  	[spmem:s1] =	stream.indirect.scatter.add.f32 [tilespmem:s16], [sflag:$0x3], $0x80, s28, s20, $0xb8;
	[tilespmem:$0x1E800] =	vst v63  }
0xa7: {  	_ =	swait.ge [sflag:s18], $0x4000  }
0xa8: {  	[sflag:s18] =	ssyncset.done $0x0  }
0xa9: {  	s28 =	sadd.s32 $0x100, s26;
	[sflag:s18] =	ssyncadd.s32 $0xFFFFC000  }
0xaa: {  	[tilespmem:s16], [sflag:$0x1] =	stream.indirect.gather [hbm4b:s4+s20], $0x80, s28, s20, $0xb8;
	[tilespmem:$0x1E800] =	vst v63  }
0xab: {  	_ =	swait.ge [sflag:s22], $0x4000  }
.Ltmp2:
0xac: {  	[sflag:s22] =	ssyncset.done $0x0;
	(pc) =	sbr.rel @p0 .LBB2_6-.Ltmp2, $4  }
0xad: {  	s26 =	sadd.s32 $0x1480, s26;
	[sflag:s22] =	ssyncadd.s32 $0xFFFFC000  }
0xae: {  	[spmem:s1] =	stream.indirect.scatter.add.f32 [tilespmem:s21], [sflag:$0x3], $0x80, s26, s20, $0xb8;
	[tilespmem:$0x1E800] =	vst v63  }
0xaf: {  	_ =	swait.ge [sflag:s18], $0x4000  }
0xb0: {  	s28 =	smov.u32 s31;
	s26 =	sshra.s32 s30, $0x2;
	[sflag:s18] =	ssyncset.done $0x0  }
0xb1: {  	s28 =	sadd.s32 $0x80, s26;
	[sflag:s18] =	ssyncadd.s32 $0xFFFFC000  }
0xb2: {  	[tilespmem:s21], [sflag:$0x2] =	stream.indirect.gather [hbm4b:s4+s20], $0x80, s28, s20, $0xb8;
	[tilespmem:$0x1E800] =	vst v63  }
0xb3: {  	_ =	swait.ge [sflag:s17], $0x4000  }
0xb4: {  	[sflag:s17] =	ssyncset.done $0x0  }
0xb5: {  	s30 =	sadd.s32 $0x1400, s26;
	[sflag:s17] =	ssyncadd.s32 $0xFFFFC000  }
0xb6: {  	[spmem:s1] =	stream.indirect.scatter.add.f32 [tilespmem:s16], [sflag:$0x3], $0x80, s30, s20, $0xb8;
	[tilespmem:$0x1E800] =	vst v63  }
0xb7: {  	_ =	swait.ge [sflag:s18], $0x4000  }
0xb8: {  	[sflag:s18] =	ssyncset.done $0x0  }
0xb9: {  	s31 =	sadd.s32 $0x100, s26;
	[sflag:s18] =	ssyncadd.s32 $0xFFFFC000  }
0xba: {  	[tilespmem:s16], [sflag:$0x1] =	stream.indirect.gather [hbm4b:s4+s20], $0x80, s31, s20, $0xb8;
	[tilespmem:$0x1E800] =	vst v63  }
0xbb: {  	_ =	swait.ge [sflag:s22], $0x4000  }
0xbc: {  	[sflag:s22] =	ssyncset.done $0x0  }
0xbd: {  	s29 =	sadd.s32 $0x1480, s26;
	[sflag:s22] =	ssyncadd.s32 $0xFFFFC000  }
0xbe: {  	[spmem:s1] =	stream.indirect.scatter.add.f32 [tilespmem:s21], [sflag:$0x3], $0x80, s29, s20, $0xb8;
	[tilespmem:$0x1E800] =	vst v63  }
0xbf: {  	_ =	swait.ge [sflag:s18], $0x4000  }
0xc0: {  	[sflag:s18] =	ssyncset.done $0x0  }
0xc1: {  	[sflag:s18] =	ssyncadd.s32 $0xFFFFC000  }
0xc2: {  	[tilespmem:s21], [sflag:$0x2] =	stream.indirect.gather [hbm4b:s4+s20], $0x80, s23, s20, $0xb8;
	[tilespmem:$0x1E800] =	vst v63  }
0xc3: {  	_ =	swait.ge [sflag:s17], $0x4000  }
0xc4: {  	[sflag:s17] =	ssyncset.done $0x0  }
0xc5: {  	[sflag:s17] =	ssyncadd.s32 $0xFFFFC000  }
0xc6: {  	[spmem:s1] =	stream.indirect.scatter.add.f32 [tilespmem:s16], [sflag:$0x3], $0x80, s24, s20, $0xb8;
	[tilespmem:$0x1E800] =	vst v63  }
0xc7: {  	_ =	swait.ge [sflag:s18], $0x4000  }
0xc8: {  	[sflag:s18] =	ssyncset.done $0x0  }
0xc9: {  	[sflag:s18] =	ssyncadd.s32 $0xFFFFC000  }
0xca: {  	_ =	swait.ge [sflag:s22], $0x4000  }
0xcb: {  	[sflag:s22] =	ssyncset.done $0x0  }
0xcc: {  	[sflag:s22] =	ssyncadd.s32 $0xFFFFC000  }
0xcd: {  	[spmem:s1] =	stream.indirect.scatter.add.f32 [tilespmem:s21], [sflag:$0x3], $0x80, s25, s20, $0xb8;
	[tilespmem:$0x1E800] =	vst v63  }
0xce: {  	_ =	swait.ge [sflag:s18], $0x4000  }
0xcf: {  	s3 =	sadd.s32 $0x1, s3;
	s30 =	sshll.u32 s2, $0x6;
	[sflag:s18] =	ssyncset.done $0x0  }
0xd0: {  	p0 =	sne.s32 s3, s15;
	s26 =	sor.u32 $0x1C03, s30;
	[sflag:s18] =	ssyncadd.s32 $0xFFFFC000  }
.Ltmp3:
0xd1: {  	s31 =	sshrl.u32 s5, $0x3;
	[bflag:$0x0] =	sbarrier.arrive $0xFFFF;
	(pc) =	sbr.rel @p0 .LBB2_1-.Ltmp3, $4  }
0xd2: {  	[hbm:s14], [sflag:s26] =	dma.local [spmem:s31], $0x2800  }
0xd3: {  	_ =	swait.ge [sflag:s18], $0x2800  }
0xd4: {  	[sflag:s18] =	ssyncset.done $0x0  }
0xd5: {  	[sflag:s18] =	ssyncadd.s32 $0xFFFFD800  }
0xd6: {  	_ =	sfence.sel $0x180000  }
0xd7: {  	[bflag:$0x0] =	sbarrier.arrive $0xFFFF  }
0xd8: {  	p0 =	sne.s32 s2, $0x0;
	_ =	strace $0x90000047  }
0xd9: {  	s0 =	sadd.s32 @!p0 $0x100000, s0;
	[bflag:$0x2] =	sbarrier.arrive $0xFFFF  }
0xda: {  	[sflag:s0] =	ssyncadd.tile.s32 @!p0 $0x1;
	_ =	shalt  }
.Lfunc_end2:
_tile_overlayer_lowered:
.L_overlay_start_2:
0xdb: {  	(tag) =	ssettag $0x2  }
0xdc: {  	s0 =	rddreg [dreg:$0x0];
	s2 =	stileid.u32  }
0xdd: {  	s1 =	rddreg [dreg:$0x1];
	p0 =	sne.s32 s2, $0x0  }
0xde: {  	s3 =	rddreg [dreg:$0x2];
	[bflag:$0x3] =	sbarrier.arrive $0xFFFF;
	s2 =	simm.s32 @!p0 $0x1C03  }
0xdf: {  	[timem:s3], [sflag:s2] =	dma.local @!p0 [hbm:s0], s1  }
0xe0: {  	s0 =	simm.s32 @!p0 $0x3  }
0xe1: {  	_ =	swait.ge @!p0 [sflag:s0], s1  }
0xe2: {  	s1 =	ssub.s32 @!p0 $0x0, s1;
	[sflag:s0] =	ssyncset.done @!p0 $0x0  }
0xe3: {  	[sflag:s0] =	ssyncadd.s32 @!p0 s1  }
0xe4: {  	[bflag:$0x3] =	sbarrier.arrive $0xFFFF  }
0xe5: {  	_ =	shalt  }

</sc_bundles>
